<compile_context>
chip_gen: v7x
topology: tpu7x:2x2x1
jax: 0.10.2.dev20260603
libtpu: 0.0.44.dev20260713+nightly
codegen_flags: <defaults>
</compile_context>

<pallas_src>
import functools

import jax
import jax.numpy as jnp
from jax import lax
from jax.experimental import pallas as pl
from jax.experimental.pallas import tpu as pltpu
from jax.experimental.pallas import tpu_sc as plsc

S = 2048
D = 768
F = 256
E = 64
C = 64
NCLS = 1000
TS = 256


def _embed_router_body(x_ref, we_ref, be_ref, wr_ref, br_ref, h_ref, oh_ref, goh_ref):
    xb = x_ref[...]
    h = jnp.maximum(
        jnp.dot(xb, we_ref[...], preferred_element_type=jnp.float32) + be_ref[...], 0.0)
    h_ref[...] = h
    logits = jnp.dot(h, wr_ref[...], preferred_element_type=jnp.float32) + br_ref[...]
    m = jnp.max(logits, axis=1, keepdims=True)
    s = jnp.sum(jnp.exp(logits - m), axis=1, keepdims=True)
    gate = 1.0 / s
    iota = lax.broadcasted_iota(jnp.int32, logits.shape, 1)
    cand = jnp.where(logits == m, iota, 2 ** 30)
    am = jnp.min(cand, axis=1, keepdims=True)
    oh = (iota == am).astype(jnp.float32)
    oh_ref[...] = oh
    goh_ref[...] = oh * gate


def _route_body(oh_ref, goh_ref, m_ref):
    oh = oh_ref[...]
    goh = goh_ref[...]
    acc = oh
    s = 1
    while s < S:
        sh = jnp.concatenate(
            [jnp.zeros((s, E), jnp.float32), acc[: S - s, :]], axis=0)
        acc = acc + sh
        s *= 2
    pos = jnp.sum((acc - oh) * oh, axis=1, keepdims=True)
    g = jnp.sum(goh, axis=1, keepdims=True)
    iota_c = lax.broadcasted_iota(jnp.int32, (S, C), 1).astype(jnp.float32)
    op = (iota_c == pos).astype(jnp.float32)
    t_col = lax.broadcasted_iota(jnp.int32, (S, 1), 0).astype(jnp.float32)
    bmat = jnp.concatenate([op * t_col, op * g, op], axis=1)
    m = lax.dot_general(
        oh, bmat, (((0,), (0,)), ((), ())),
        precision=lax.Precision.HIGHEST, preferred_element_type=jnp.float32)
    slots_raw = m[:, :C]
    ge = m[:, C:2 * C]
    presence = m[:, 2 * C:3 * C]
    e_idx = lax.broadcasted_iota(jnp.int32, (E, C), 0)
    c_idx = lax.broadcasted_iota(jnp.int32, (E, C), 1)
    spread = ((e_idx * C + c_idx) % S).astype(jnp.float32)
    slots = jnp.where(presence > 0.0, slots_raw, spread)
    m_ref[...] = jnp.concatenate([slots, ge], axis=1)


def _expert_body(xe_ref, ge_ref, w1_ref, b1_ref, w2_ref, b2_ref, wh_ref, bh_ref,
                 out_ref, pooled):
    e = pl.program_id(0)

    @pl.when(e == 0)
    def _():
        pooled[...] = jnp.zeros_like(pooled)

    xb = xe_ref[0].astype(jnp.bfloat16)
    z = jnp.maximum(
        jnp.dot(xb, w1_ref[0].astype(jnp.bfloat16),
                preferred_element_type=jnp.float32) + b1_ref[0], 0.0)
    gev = ge_ref[0]
    a = jnp.dot(gev, z, preferred_element_type=jnp.float32)
    contrib = (jnp.dot(a.astype(jnp.bfloat16), w2_ref[0].astype(jnp.bfloat16),
                       preferred_element_type=jnp.float32)
               + jnp.sum(gev) * b2_ref[0])
    pooled[...] += contrib

    @pl.when(e == E - 1)
    def _():
        out_ref[...] = (
            jnp.dot(pooled[...] * (1.0 / S), wh_ref[...],
                    preferred_element_type=jnp.float32) + bh_ref[...])


def _sc_gather(h, slots):
    nc, ns = 2, 16
    nw = nc * ns
    n = E * C
    bw = n // nw
    mesh = plsc.VectorSubcoreMesh(core_axis_name="c", subcore_axis_name="s",
                                  num_cores=nc, num_subcores=ns)

    @functools.partial(
        pl.kernel, mesh=mesh,
        out_type=jax.ShapeDtypeStruct((n, D), jnp.float32),
        scratch_types=[
            pltpu.VMEM((bw,), jnp.int32),
            pltpu.VMEM((bw, D), jnp.float32),
            pltpu.SemaphoreType.DMA,
        ],
    )
    def k(h_hbm, idx_hbm, out_hbm, idx_v, rows_v, sem):
        wid = lax.axis_index("s") * nc + lax.axis_index("c")
        base = wid * bw
        pltpu.sync_copy(idx_hbm.at[pl.ds(base, bw)], idx_v)
        pltpu.async_copy(h_hbm.at[idx_v], rows_v, sem).wait()
        pltpu.sync_copy(rows_v, out_hbm.at[pl.ds(base, bw)])

    return k(h, slots)


def kernel(x, W_embed, b_embed, Wr, br, W1, b1, W2, b2, Wh, bh):
    x2 = x.reshape(S, D)
    h, oh, goh = pl.pallas_call(
        _embed_router_body,
        grid=(S // TS,),
        in_specs=[
            pl.BlockSpec((TS, D), lambda i: (i, 0)),
            pl.BlockSpec((D, D), lambda i: (0, 0)),
            pl.BlockSpec((1, D), lambda i: (0, 0)),
            pl.BlockSpec((D, E), lambda i: (0, 0)),
            pl.BlockSpec((1, E), lambda i: (0, 0)),
        ],
        out_specs=[
            pl.BlockSpec((TS, D), lambda i: (i, 0)),
            pl.BlockSpec((TS, E), lambda i: (i, 0)),
            pl.BlockSpec((TS, E), lambda i: (i, 0)),
        ],
        out_shape=[
            jax.ShapeDtypeStruct((S, D), jnp.float32),
            jax.ShapeDtypeStruct((S, E), jnp.float32),
            jax.ShapeDtypeStruct((S, E), jnp.float32),
        ],
    )(x2, W_embed, b_embed.reshape(1, D), Wr, br.reshape(1, E))

    m = pl.pallas_call(
        _route_body,
        out_shape=jax.ShapeDtypeStruct((E, 2 * C), jnp.float32),
    )(oh, goh)

    slots = m[:, :C].reshape(E * C).astype(jnp.int32)
    ge3 = m[:, C:2 * C].reshape(E, 1, C)

    xe = _sc_gather(h, slots)

    out = pl.pallas_call(
        _expert_body,
        grid=(E,),
        in_specs=[
            pl.BlockSpec((1, C, D), lambda e: (e, 0, 0)),
            pl.BlockSpec((1, 1, C), lambda e: (e, 0, 0)),
            pl.BlockSpec((1, D, F), lambda e: (e, 0, 0)),
            pl.BlockSpec((1, 1, F), lambda e: (e, 0, 0)),
            pl.BlockSpec((1, F, D), lambda e: (e, 0, 0)),
            pl.BlockSpec((1, 1, D), lambda e: (e, 0, 0)),
            pl.BlockSpec((D, NCLS), lambda e: (0, 0)),
            pl.BlockSpec((1, NCLS), lambda e: (0, 0)),
        ],
        out_specs=pl.BlockSpec((1, NCLS), lambda e: (0, 0)),
        out_shape=jax.ShapeDtypeStruct((1, NCLS), jnp.float32),
        scratch_shapes=[pltpu.VMEM((1, D), jnp.float32)],
    )(xe.reshape(E, C, D), ge3, W1, b1.reshape(E, 1, F),
      W2, b2.reshape(E, 1, D), Wh, bh.reshape(1, NCLS))

    return out

# --- scband reference (transcript-rebuilt; emitter-appended) ---
"""Pipeline reference for scband-simple-mo-eclassifier-26345329393667 (READ-ONLY COPY).

The authoritative reference and input builder live on the scoring server;
editing this copy changes nothing except your own understanding.
"""

import jax, jax.numpy as jnp
import numpy as np

D_MODEL = 768
D_FF = 256
N_EXPERTS = 64
TOP_K = 1
N_CLASSES = 1000
B = 1
S = 2048


def setup_inputs(seed: int = 0) -> dict:
    key = jax.random.key(seed)
    ks = jax.random.split(key, 8)
    d, f, e, c = D_MODEL, D_FF, N_EXPERTS, N_CLASSES
    x = jax.random.normal(ks[0], (B, S, d), jnp.float32)
    W_embed = jax.random.normal(ks[1], (d, d), jnp.float32) / np.sqrt(d)
    b_embed = jnp.zeros((d,), jnp.float32)
    Wr = jax.random.normal(ks[2], (d, e), jnp.float32) / np.sqrt(d)
    br = jnp.zeros((e,), jnp.float32)
    W1 = jax.random.normal(ks[3], (e, d, f), jnp.float32) / np.sqrt(d)
    b1 = jnp.zeros((e, f), jnp.float32)
    W2 = jax.random.normal(ks[4], (e, f, d), jnp.float32) / np.sqrt(f)
    b2 = jnp.zeros((e, d), jnp.float32)
    Wh = jax.random.normal(ks[5], (d, c), jnp.float32) / np.sqrt(d)
    bh = jnp.zeros((c,), jnp.float32)
    return {"x": x, "W_embed": W_embed, "b_embed": b_embed, "Wr": Wr, "br": br,
            "W1": W1, "b1": b1, "W2": W2, "b2": b2, "Wh": Wh, "bh": bh}


def _moe(ht, Wr, br, W1, b1, W2, b2):
    # Standard top-k MoE with capacity-based dispatch (Switch-style for top_k=1).
    T, D = ht.shape
    E = Wr.shape[1]
    C = max(1, (2 * T * TOP_K) // E)  # capacity factor 2
    probs = jax.nn.softmax(ht @ Wr + br, axis=-1)
    gate, eidx = jax.lax.top_k(probs, TOP_K)
    out = jnp.zeros_like(ht)
    for k in range(TOP_K):
        g = gate[:, k]
        idx = eidx[:, k]
        onehot = jax.nn.one_hot(idx, E, dtype=jnp.int32)
        pos = jnp.cumsum(onehot, axis=0) - 1
        pos = jnp.take_along_axis(pos, idx[:, None], axis=1)[:, 0]
        # dispatch tokens to [E, C, D] slots; overflow slots (pos >= C) are dropped
        xe = jnp.zeros((E, C, D), ht.dtype).at[idx, pos].add(ht, mode='drop')
        hh = jax.nn.relu(jnp.einsum('ecd,edf->ecf', xe, W1) + b1[:, None, :])
        ye = jnp.einsum('ecf,efd->ecd', hh, W2) + b2[:, None, :]
        # combine: gather back to tokens; dropped tokens get 0
        ytok = ye.at[idx, pos].get(mode='fill', fill_value=0.0)
        out = out + ytok * g[:, None]
    return out


def reference(x, W_embed, b_embed, Wr, br, W1, b1, W2, b2, Wh, bh):
    Bn, Sn, D = x.shape
    h = jax.nn.relu(x @ W_embed + b_embed)
    ht = h.reshape(Bn * Sn, D)
    y = _moe(ht, Wr, br, W1, b1, W2, b2).reshape(Bn, Sn, D)
    pooled = y.mean(axis=1)
    return pooled @ Wh + bh

if __name__ == "__main__":
    import jax
    _d = setup_inputs()
    print(jax.jit(kernel)(*tuple(_d.values())))

</pallas_src>

<mosaic_0001>
#map = affine_map<(d0, d1) -> (0, 0)>
#map1 = affine_map<(d0, d1) -> (0)>
module attributes {stable_mosaic.version = 14 : i64} {
  func.func @k(%arg0: i32, %arg1: i32, %arg2: memref<2048x768xf32, #tpu.memory_space<hbm>>, %arg3: memref<4096xi32, #tpu.memory_space<hbm>>, %arg4: memref<4096x768xf32, #tpu.memory_space<hbm>>, %arg5: memref<128xi32, #tpu.memory_space<vmem>>, %arg6: memref<128x768xf32, #tpu.memory_space<vmem>>, %arg7: memref<!tpu.dma_semaphore, #tpu.memory_space<semaphore_mem>>) attributes {dimension_semantics = [#tpu.dimension_semantics<core_parallel>, #tpu.dimension_semantics<subcore_parallel>], iteration_bounds = array<i64: 2, 16>, scalar_prefetch = 0 : i64, scratch_operands = 3 : i64, tpu.core_type = #tpu.core_type<sc_vector_subcore>, window_params = [{transform_indices = #map}, {transform_indices = #map1}, {transform_indices = #map}]} {
    %mul3A = arith.constant 2 : i32
    %mul3A_0 = arith.muli %arg1, %mul3A : i32
    %add3A = arith.addi %mul3A_0, %arg0 : i32
    %mul3A_1 = arith.constant 128 : i32
    %mul3A_2 = arith.muli %add3A, %mul3A_1 : i32
    "tpu.region"() ({
      %run_scoped3A = tpu.sem_alloc : memref<!tpu.dma_semaphore, #tpu.memory_space<semaphore_mem>>
      %dma_start3A_7 = tpu.memref_slice %arg3[%mul3A_2] : memref<4096xi32, #tpu.memory_space<hbm>> -> memref<128xi32, #tpu.memory_space<hbm>>
      %dma_start3A_8 = tpu.memref_slice %arg3[%mul3A_2] : memref<4096xi32, #tpu.memory_space<hbm>> -> memref<128xi32, #tpu.memory_space<hbm>>
      tpu.enqueue_dma source(%dma_start3A_8 : memref<128xi32, #tpu.memory_space<hbm>>) target(%arg5 : memref<128xi32, #tpu.memory_space<vmem>>) target_semaphore(%run_scoped3A : memref<!tpu.dma_semaphore, #tpu.memory_space<semaphore_mem>>)
      %dma_wait3A_9 = tpu.memref_slice %arg3[%mul3A_2] : memref<4096xi32, #tpu.memory_space<hbm>> -> memref<128xi32, #tpu.memory_space<hbm>>
      %dma_wait3A_10 = tpu.memref_slice %arg3[%mul3A_2] : memref<4096xi32, #tpu.memory_space<hbm>> -> memref<128xi32, #tpu.memory_space<hbm>>
      tpu.wait_dma2 semaphore(%run_scoped3A : memref<!tpu.dma_semaphore, #tpu.memory_space<semaphore_mem>>) src(%dma_wait3A_10 : memref<128xi32, #tpu.memory_space<hbm>>) dst(%arg5 : memref<128xi32, #tpu.memory_space<vmem>>)
      tpu.yield
    }) : () -> ()
    %dma_start3A = arith.constant 0 : i32
    %dma_start3A_3 = arith.constant 0 : i32
    %dma_start3A_4 = tpu.memref_slice %arg2[%dma_start3A, %dma_start3A_3] : memref<2048x768xf32, #tpu.memory_space<hbm>> -> memref<2048x768xf32, #tpu.memory_space<hbm>>
    tpu.enqueue_indirect_dma source(%dma_start3A_4 : memref<2048x768xf32, #tpu.memory_space<hbm>>) target(%arg6 : memref<128x768xf32, #tpu.memory_space<vmem>>) offsets(%arg5 : memref<128xi32, #tpu.memory_space<vmem>>) semaphore(%arg7 : memref<!tpu.dma_semaphore, #tpu.memory_space<semaphore_mem>>)
    %dma_wait3A = arith.constant 0 : i32
    %dma_wait3A_5 = arith.constant 0 : i32
    %dma_wait3A_6 = tpu.memref_slice %arg2[%dma_wait3A, %dma_wait3A_5] : memref<2048x768xf32, #tpu.memory_space<hbm>> -> memref<2048x768xf32, #tpu.memory_space<hbm>>
    tpu.wait_indirect_dma semaphore(%arg7 : memref<!tpu.dma_semaphore, #tpu.memory_space<semaphore_mem>>) src(%dma_wait3A_6 : memref<2048x768xf32, #tpu.memory_space<hbm>>) dst(%arg6 : memref<128x768xf32, #tpu.memory_space<vmem>>)
    "tpu.region"() ({
      %run_scoped3A = tpu.sem_alloc : memref<!tpu.dma_semaphore, #tpu.memory_space<semaphore_mem>>
      %dma_start3A_7 = arith.constant 0 : i32
      %dma_start3A_8 = tpu.memref_slice %arg4[%mul3A_2, %dma_start3A_7] : memref<4096x768xf32, #tpu.memory_space<hbm>> -> memref<128x768xf32, #tpu.memory_space<hbm>>
      %dma_start3A_9 = arith.constant 0 : i32
      %dma_start3A_10 = tpu.memref_slice %arg4[%mul3A_2, %dma_start3A_9] : memref<4096x768xf32, #tpu.memory_space<hbm>> -> memref<128x768xf32, #tpu.memory_space<hbm>>
      tpu.enqueue_dma source(%arg6 : memref<128x768xf32, #tpu.memory_space<vmem>>) target(%dma_start3A_10 : memref<128x768xf32, #tpu.memory_space<hbm>>) target_semaphore(%run_scoped3A : memref<!tpu.dma_semaphore, #tpu.memory_space<semaphore_mem>>)
      %dma_wait3A_11 = arith.constant 0 : i32
      %dma_wait3A_12 = tpu.memref_slice %arg4[%mul3A_2, %dma_wait3A_11] : memref<4096x768xf32, #tpu.memory_space<hbm>> -> memref<128x768xf32, #tpu.memory_space<hbm>>
      %dma_wait3A_13 = arith.constant 0 : i32
      %dma_wait3A_14 = tpu.memref_slice %arg4[%mul3A_2, %dma_wait3A_13] : memref<4096x768xf32, #tpu.memory_space<hbm>> -> memref<128x768xf32, #tpu.memory_space<hbm>>
      tpu.wait_dma2 semaphore(%run_scoped3A : memref<!tpu.dma_semaphore, #tpu.memory_space<semaphore_mem>>) src(%arg6 : memref<128x768xf32, #tpu.memory_space<vmem>>) dst(%dma_wait3A_14 : memref<128x768xf32, #tpu.memory_space<hbm>>)
      tpu.yield
    }) : () -> ()
    return
  }
}

module attributes {stable_mosaic.version = 14 : i64} {
  func.func @_route_body(%arg0: memref<2048x64xf32, #tpu.memory_space<vmem>>, %arg1: memref<2048x64xf32, #tpu.memory_space<vmem>>, %arg2: memref<64x128xf32, #tpu.memory_space<vmem>>) attributes {dimension_semantics = [], scalar_prefetch = 0 : i64, scratch_operands = 0 : i64, tpu.core_type = #tpu.core_type<tc>} {
    %get3A = arith.constant 0 : index
    %get3A_0 = arith.constant 0 : index
    %get3A_1 = vector.load %arg0[%get3A, %get3A_0] : memref<2048x64xf32, #tpu.memory_space<vmem>>, vector<2048x64xf32>
    %get3A_2 = arith.constant 0 : index
    %get3A_3 = arith.constant 0 : index
    %get3A_4 = vector.load %arg1[%get3A_2, %get3A_3] : memref<2048x64xf32, #tpu.memory_space<vmem>>, vector<2048x64xf32>
    %broadcast_in_dim3A = arith.constant 0.000000e+00 : f32
    %broadcast_in_dim3A_5 = vector.broadcast %broadcast_in_dim3A : f32 to vector<1x64xf32>
    %slice3A = vector.extract_strided_slice %get3A_1 {offsets = [0, 0], sizes = [2047, 64], strides = [1, 1]} : vector<2048x64xf32> to vector<2047x64xf32>
    %concatenate3A = tpu.concatenate %broadcast_in_dim3A_5, %slice3A in 0 : vector<1x64xf32>, vector<2047x64xf32> -> vector<2048x64xf32>
    %add3A = arith.addf %get3A_1, %concatenate3A : vector<2048x64xf32>
    %broadcast_in_dim3A_6 = arith.constant 0.000000e+00 : f32
    %broadcast_in_dim3A_7 = vector.broadcast %broadcast_in_dim3A_6 : f32 to vector<2x64xf32>
    %slice3A_8 = vector.extract_strided_slice %add3A {offsets = [0, 0], sizes = [2046, 64], strides = [1, 1]} : vector<2048x64xf32> to vector<2046x64xf32>
    %concatenate3A_9 = tpu.concatenate %broadcast_in_dim3A_7, %slice3A_8 in 0 : vector<2x64xf32>, vector<2046x64xf32> -> vector<2048x64xf32>
    %add3A_10 = arith.addf %add3A, %concatenate3A_9 : vector<2048x64xf32>
    %broadcast_in_dim3A_11 = arith.constant 0.000000e+00 : f32
    %broadcast_in_dim3A_12 = vector.broadcast %broadcast_in_dim3A_11 : f32 to vector<4x64xf32>
    %slice3A_13 = vector.extract_strided_slice %add3A_10 {offsets = [0, 0], sizes = [2044, 64], strides = [1, 1]} : vector<2048x64xf32> to vector<2044x64xf32>
    %concatenate3A_14 = tpu.concatenate %broadcast_in_dim3A_12, %slice3A_13 in 0 : vector<4x64xf32>, vector<2044x64xf32> -> vector<2048x64xf32>
    %add3A_15 = arith.addf %add3A_10, %concatenate3A_14 : vector<2048x64xf32>
    %broadcast_in_dim3A_16 = arith.constant 0.000000e+00 : f32
    %broadcast_in_dim3A_17 = vector.broadcast %broadcast_in_dim3A_16 : f32 to vector<8x64xf32>
    %slice3A_18 = vector.extract_strided_slice %add3A_15 {offsets = [0, 0], sizes = [2040, 64], strides = [1, 1]} : vector<2048x64xf32> to vector<2040x64xf32>
    %concatenate3A_19 = tpu.concatenate %broadcast_in_dim3A_17, %slice3A_18 in 0 : vector<8x64xf32>, vector<2040x64xf32> -> vector<2048x64xf32>
    %add3A_20 = arith.addf %add3A_15, %concatenate3A_19 : vector<2048x64xf32>
    %broadcast_in_dim3A_21 = arith.constant 0.000000e+00 : f32
    %broadcast_in_dim3A_22 = vector.broadcast %broadcast_in_dim3A_21 : f32 to vector<16x64xf32>
    %slice3A_23 = vector.extract_strided_slice %add3A_20 {offsets = [0, 0], sizes = [2032, 64], strides = [1, 1]} : vector<2048x64xf32> to vector<2032x64xf32>
    %concatenate3A_24 = tpu.concatenate %broadcast_in_dim3A_22, %slice3A_23 in 0 : vector<16x64xf32>, vector<2032x64xf32> -> vector<2048x64xf32>
    %add3A_25 = arith.addf %add3A_20, %concatenate3A_24 : vector<2048x64xf32>
    %broadcast_in_dim3A_26 = arith.constant 0.000000e+00 : f32
    %broadcast_in_dim3A_27 = vector.broadcast %broadcast_in_dim3A_26 : f32 to vector<32x64xf32>
    %slice3A_28 = vector.extract_strided_slice %add3A_25 {offsets = [0, 0], sizes = [2016, 64], strides = [1, 1]} : vector<2048x64xf32> to vector<2016x64xf32>
    %concatenate3A_29 = tpu.concatenate %broadcast_in_dim3A_27, %slice3A_28 in 0 : vector<32x64xf32>, vector<2016x64xf32> -> vector<2048x64xf32>
    %add3A_30 = arith.addf %add3A_25, %concatenate3A_29 : vector<2048x64xf32>
    %broadcast_in_dim3A_31 = arith.constant 0.000000e+00 : f32
    %broadcast_in_dim3A_32 = vector.broadcast %broadcast_in_dim3A_31 : f32 to vector<64x64xf32>
    %slice3A_33 = vector.extract_strided_slice %add3A_30 {offsets = [0, 0], sizes = [1984, 64], strides = [1, 1]} : vector<2048x64xf32> to vector<1984x64xf32>
    %concatenate3A_34 = tpu.concatenate %broadcast_in_dim3A_32, %slice3A_33 in 0 : vector<64x64xf32>, vector<1984x64xf32> -> vector<2048x64xf32>
    %add3A_35 = arith.addf %add3A_30, %concatenate3A_34 : vector<2048x64xf32>
    %broadcast_in_dim3A_36 = arith.constant 0.000000e+00 : f32
    %broadcast_in_dim3A_37 = vector.broadcast %broadcast_in_dim3A_36 : f32 to vector<128x64xf32>
    %slice3A_38 = vector.extract_strided_slice %add3A_35 {offsets = [0, 0], sizes = [1920, 64], strides = [1, 1]} : vector<2048x64xf32> to vector<1920x64xf32>
    %concatenate3A_39 = tpu.concatenate %broadcast_in_dim3A_37, %slice3A_38 in 0 : vector<128x64xf32>, vector<1920x64xf32> -> vector<2048x64xf32>
    %add3A_40 = arith.addf %add3A_35, %concatenate3A_39 : vector<2048x64xf32>
    %broadcast_in_dim3A_41 = arith.constant 0.000000e+00 : f32
    %broadcast_in_dim3A_42 = vector.broadcast %broadcast_in_dim3A_41 : f32 to vector<256x64xf32>
    %slice3A_43 = vector.extract_strided_slice %add3A_40 {offsets = [0, 0], sizes = [1792, 64], strides = [1, 1]} : vector<2048x64xf32> to vector<1792x64xf32>
    %concatenate3A_44 = tpu.concatenate %broadcast_in_dim3A_42, %slice3A_43 in 0 : vector<256x64xf32>, vector<1792x64xf32> -> vector<2048x64xf32>
    %add3A_45 = arith.addf %add3A_40, %concatenate3A_44 : vector<2048x64xf32>
    %broadcast_in_dim3A_46 = arith.constant 0.000000e+00 : f32
    %broadcast_in_dim3A_47 = vector.broadcast %broadcast_in_dim3A_46 : f32 to vector<512x64xf32>
    %slice3A_48 = vector.extract_strided_slice %add3A_45 {offsets = [0, 0], sizes = [1536, 64], strides = [1, 1]} : vector<2048x64xf32> to vector<1536x64xf32>
    %concatenate3A_49 = tpu.concatenate %broadcast_in_dim3A_47, %slice3A_48 in 0 : vector<512x64xf32>, vector<1536x64xf32> -> vector<2048x64xf32>
    %add3A_50 = arith.addf %add3A_45, %concatenate3A_49 : vector<2048x64xf32>
    %broadcast_in_dim3A_51 = arith.constant 0.000000e+00 : f32
    %broadcast_in_dim3A_52 = vector.broadcast %broadcast_in_dim3A_51 : f32 to vector<1024x64xf32>
    %slice3A_53 = vector.extract_strided_slice %add3A_50 {offsets = [0, 0], sizes = [1024, 64], strides = [1, 1]} : vector<2048x64xf32> to vector<1024x64xf32>
    %concatenate3A_54 = tpu.concatenate %broadcast_in_dim3A_52, %slice3A_53 in 0 : vector<1024x64xf32>, vector<1024x64xf32> -> vector<2048x64xf32>
    %add3A_55 = arith.addf %add3A_50, %concatenate3A_54 : vector<2048x64xf32>
    %sub3A = arith.subf %add3A_55, %get3A_1 : vector<2048x64xf32>
    %mul3A = arith.mulf %sub3A, %get3A_1 : vector<2048x64xf32>
    %reduce_sum3A = arith.constant dense<0.000000e+00> : vector<2048xf32>
    %reduce_sum3A_56 = vector.multi_reduction <add>, %mul3A, %reduce_sum3A [1] : vector<2048x64xf32> to vector<2048xf32>
    %broadcast_in_dim3A_57 = vector.shape_cast %reduce_sum3A_56 : vector<2048xf32> to vector<2048x1xf32>
    %reduce_sum3A_58 = arith.constant dense<0.000000e+00> : vector<2048xf32>
    %reduce_sum3A_59 = vector.multi_reduction <add>, %get3A_4, %reduce_sum3A_58 [1] : vector<2048x64xf32> to vector<2048xf32>
    %broadcast_in_dim3A_60 = vector.shape_cast %reduce_sum3A_59 : vector<2048xf32> to vector<2048x1xf32>
    %iota3A = tpu.iota {dimensions = array<i32: 1>} : vector<2048x64xi32>
    %convert_element_type3A = arith.sitofp %iota3A : vector<2048x64xi32> to vector<2048x64xf32>
    %eq3A = vector.broadcast %broadcast_in_dim3A_57 : vector<2048x1xf32> to vector<2048x64xf32>
    %eq3A_61 = arith.cmpf oeq, %convert_element_type3A, %eq3A : vector<2048x64xf32>
    %convert_element_type3A_62 = arith.extui %eq3A_61 : vector<2048x64xi1> to vector<2048x64xi32>
    %convert_element_type3A_63 = arith.sitofp %convert_element_type3A_62 : vector<2048x64xi32> to vector<2048x64xf32>
    %iota3A_64 = tpu.iota {dimensions = array<i32: 0>} : vector<2048x1xi32>
    %convert_element_type3A_65 = arith.sitofp %iota3A_64 : vector<2048x1xi32> to vector<2048x1xf32>
    %mul3A_66 = vector.broadcast %convert_element_type3A_65 : vector<2048x1xf32> to vector<2048x64xf32>
    %mul3A_67 = arith.mulf %convert_element_type3A_63, %mul3A_66 : vector<2048x64xf32>
    %mul3A_68 = vector.broadcast %broadcast_in_dim3A_60 : vector<2048x1xf32> to vector<2048x64xf32>
    %mul3A_69 = arith.mulf %convert_element_type3A_63, %mul3A_68 : vector<2048x64xf32>
    %concatenate3A_70 = tpu.concatenate %mul3A_67, %mul3A_69, %convert_element_type3A_63 in 1 : vector<2048x64xf32>, vector<2048x64xf32>, vector<2048x64xf32> -> vector<2048x192xf32>
    %dot_general3A = arith.constant dense<0.000000e+00> : vector<64x192xf32>
    %dot_general3A_71 = tpu.matmul %get3A_1, %concatenate3A_70, %dot_general3A {dimension_numbers = #tpu.dot_dimension_numbers<[0], [0], [1], [1], [0, 1, 1, 1], [], []>, precision = #tpu.contract_precision<fp32>, transpose_lhs_hint = false} : vector<2048x64xf32>, vector<2048x192xf32>, vector<64x192xf32> -> vector<64x192xf32>
    %slice3A_72 = vector.extract_strided_slice %dot_general3A_71 {offsets = [0, 0], sizes = [64, 64], strides = [1, 1]} : vector<64x192xf32> to vector<64x64xf32>
    %slice3A_73 = vector.extract_strided_slice %dot_general3A_71 {offsets = [0, 64], sizes = [64, 64], strides = [1, 1]} : vector<64x192xf32> to vector<64x64xf32>
    %slice3A_74 = vector.extract_strided_slice %dot_general3A_71 {offsets = [0, 128], sizes = [64, 64], strides = [1, 1]} : vector<64x192xf32> to vector<64x64xf32>
    %iota3A_75 = tpu.iota {dimensions = array<i32: 0>} : vector<64x64xi32>
    %iota3A_76 = tpu.iota {dimensions = array<i32: 1>} : vector<64x64xi32>
    %mul3A_77 = arith.constant 64 : i32
    %mul3A_78 = vector.broadcast %mul3A_77 : i32 to vector<64x64xi32>
    %mul3A_79 = arith.muli %iota3A_75, %mul3A_78 : vector<64x64xi32>
    %add3A_80 = arith.addi %mul3A_79, %iota3A_76 : vector<64x64xi32>
    %jit3A = arith.constant 2048 : i32
    %eq3A_81 = arith.constant 0 : i32
    %eq3A_82 = arith.cmpi eq, %jit3A, %eq3A_81 : i32
    %jit3A_83 = arith.constant 1 : i32
    %select_n3A = arith.select %eq3A_82, %jit3A_83, %jit3A : i32
    %rem3A = vector.broadcast %select_n3A : i32 to vector<64x64xi32>
    %rem3A_84 = arith.remsi %add3A_80, %rem3A : vector<64x64xi32>
    %ne3A = arith.constant 0 : i32
    %ne3A_85 = vector.broadcast %ne3A : i32 to vector<64x64xi32>
    %ne3A_86 = arith.cmpi ne, %rem3A_84, %ne3A_85 : vector<64x64xi32>
    %lt3A = arith.constant 0 : i32
    %lt3A_87 = vector.broadcast %lt3A : i32 to vector<64x64xi32>
    %lt3A_88 = arith.cmpi slt, %rem3A_84, %lt3A_87 : vector<64x64xi32>
    %lt3A_89 = arith.constant 0 : i32
    %lt3A_90 = arith.cmpi slt, %select_n3A, %lt3A_89 : i32
    %ne3A_91 = vector.broadcast %lt3A_90 : i1 to vector<64x64xi1>
    %ne3A_92 = vector.broadcast %ne3A_91 : vector<64x64xi1> to vector<64x64xi1>
    %ne3A_93 = arith.xori %lt3A_88, %ne3A_92 : vector<64x64xi1>
    %and3A = arith.andi %ne3A_93, %ne3A_86 : vector<64x64xi1>
    %add3A_94 = vector.broadcast %select_n3A : i32 to vector<64x64xi32>
    %add3A_95 = arith.addi %rem3A_84, %add3A_94 : vector<64x64xi32>
    %select_n3A_96 = arith.select %and3A, %add3A_95, %rem3A_84 : vector<64x64xi1>, vector<64x64xi32>
    %convert_element_type3A_97 = arith.sitofp %select_n3A_96 : vector<64x64xi32> to vector<64x64xf32>
    %gt3A = arith.constant 0.000000e+00 : f32
    %gt3A_98 = vector.broadcast %gt3A : f32 to vector<64x64xf32>
    %gt3A_99 = arith.cmpf ogt, %slice3A_74, %gt3A_98 : vector<64x64xf32>
    %select_n3A_100 = arith.select %gt3A_99, %slice3A_72, %convert_element_type3A_97 : vector<64x64xi1>, vector<64x64xf32>
    %concatenate3A_101 = tpu.concatenate %select_n3A_100, %slice3A_73 in 1 : vector<64x64xf32>, vector<64x64xf32> -> vector<64x128xf32>
    %swap3A = arith.constant 0 : index
    %swap3A_102 = arith.constant 0 : index
    %swap3A_103 = vector.load %arg2[%swap3A, %swap3A_102] : memref<64x128xf32, #tpu.memory_space<vmem>>, vector<64x128xf32>
    tpu.vector_store %arg2[%swap3A, %swap3A_102], %concatenate3A_101 {strides = array<i32>} : memref<64x128xf32, #tpu.memory_space<vmem>>, vector<64x128xf32>,
    return
  }
}

module attributes {stable_mosaic.version = 14 : i64} {
  func.func @_embed_router_body(%arg0: i32, %arg1: memref<256x768xf32, #tpu.memory_space<vmem>>, %arg2: memref<768x768xf32, #tpu.memory_space<vmem>>, %arg3: memref<1x768xf32, #tpu.memory_space<vmem>>, %arg4: memref<768x64xf32, #tpu.memory_space<vmem>>, %arg5: memref<1x64xf32, #tpu.memory_space<vmem>>, %arg6: memref<256x768xf32, #tpu.memory_space<vmem>>, %arg7: memref<256x64xf32, #tpu.memory_space<vmem>>, %arg8: memref<256x64xf32, #tpu.memory_space<vmem>>) attributes {dimension_semantics = [#tpu.dimension_semantics<arbitrary>], iteration_bounds = array<i64: 8>, scalar_prefetch = 0 : i64, scratch_operands = 0 : i64, tpu.core_type = #tpu.core_type<tc>, window_params = [{transform_indices = @transform_0, window_bounds = array<i64: 256, 768>}, {pipeline_mode = #tpu.pipeline_mode<synchronous>, transform_indices = @transform_1, window_bounds = array<i64: 768, 768>}, {pipeline_mode = #tpu.pipeline_mode<synchronous>, transform_indices = @transform_2, window_bounds = array<i64: 1, 768>}, {pipeline_mode = #tpu.pipeline_mode<synchronous>, transform_indices = @transform_3, window_bounds = array<i64: 768, 64>}, {pipeline_mode = #tpu.pipeline_mode<synchronous>, transform_indices = @transform_4, window_bounds = array<i64: 1, 64>}, {transform_indices = @transform_5, window_bounds = array<i64: 256, 768>}, {transform_indices = @transform_6, window_bounds = array<i64: 256, 64>}, {transform_indices = @transform_7, window_bounds = array<i64: 256, 64>}]} {
    %get3A = arith.constant 0 : index
    %get3A_0 = arith.constant 0 : index
    %get3A_1 = vector.load %arg1[%get3A, %get3A_0] : memref<256x768xf32, #tpu.memory_space<vmem>>, vector<256x768xf32>
    %get3A_2 = arith.constant 0 : index
    %get3A_3 = arith.constant 0 : index
    %get3A_4 = vector.load %arg2[%get3A_2, %get3A_3] : memref<768x768xf32, #tpu.memory_space<vmem>>, vector<768x768xf32>
    %dot_general3A = arith.constant dense<0.000000e+00> : vector<256x768xf32>
    %dot_general3A_5 = tpu.matmul %get3A_1, %get3A_4, %dot_general3A {dimension_numbers = #tpu.dot_dimension_numbers<[1], [0], [0], [1], [0, 0, 1, 1], [], []>, transpose_lhs_hint = false} : vector<256x768xf32>, vector<768x768xf32>, vector<256x768xf32> -> vector<256x768xf32>
    %get3A_6 = arith.constant 0 : index
    %get3A_7 = arith.constant 0 : index
    %get3A_8 = vector.load %arg3[%get3A_6, %get3A_7] : memref<1x768xf32, #tpu.memory_space<vmem>>, vector<1x768xf32>
    %add3A = vector.broadcast %get3A_8 : vector<1x768xf32> to vector<256x768xf32>
    %add3A_9 = arith.addf %dot_general3A_5, %add3A : vector<256x768xf32>
    %max3A = arith.constant 0.000000e+00 : f32
    %max3A_10 = vector.broadcast %max3A : f32 to vector<256x768xf32>
    %max3A_11 = arith.maximumf %add3A_9, %max3A_10 : vector<256x768xf32>
    %swap3A = arith.constant 0 : index
    %swap3A_12 = arith.constant 0 : index
    %swap3A_13 = vector.load %arg6[%swap3A, %swap3A_12] : memref<256x768xf32, #tpu.memory_space<vmem>>, vector<256x768xf32>
    tpu.vector_store %arg6[%swap3A, %swap3A_12], %max3A_11 {strides = array<i32>} : memref<256x768xf32, #tpu.memory_space<vmem>>, vector<256x768xf32>,
    %get3A_14 = arith.constant 0 : index
    %get3A_15 = arith.constant 0 : index
    %get3A_16 = vector.load %arg4[%get3A_14, %get3A_15] : memref<768x64xf32, #tpu.memory_space<vmem>>, vector<768x64xf32>
    %dot_general3A_17 = arith.constant dense<0.000000e+00> : vector<256x64xf32>
    %dot_general3A_18 = tpu.matmul %max3A_11, %get3A_16, %dot_general3A_17 {dimension_numbers = #tpu.dot_dimension_numbers<[1], [0], [0], [1], [0, 0, 1, 1], [], []>, transpose_lhs_hint = false} : vector<256x768xf32>, vector<768x64xf32>, vector<256x64xf32> -> vector<256x64xf32>
    %get3A_19 = arith.constant 0 : index
    %get3A_20 = arith.constant 0 : index
    %get3A_21 = vector.load %arg5[%get3A_19, %get3A_20] : memref<1x64xf32, #tpu.memory_space<vmem>>, vector<1x64xf32>
    %add3A_22 = vector.broadcast %get3A_21 : vector<1x64xf32> to vector<256x64xf32>
    %add3A_23 = arith.addf %dot_general3A_18, %add3A_22 : vector<256x64xf32>
    %reduce_max3A = arith.constant dense<0xFF800000> : vector<256xf32>
    %reduce_max3A_24 = vector.multi_reduction <maximumf>, %add3A_23, %reduce_max3A [1] : vector<256x64xf32> to vector<256xf32>
    %broadcast_in_dim3A = vector.shape_cast %reduce_max3A_24 : vector<256xf32> to vector<256x1xf32>
    %sub3A = vector.broadcast %broadcast_in_dim3A : vector<256x1xf32> to vector<256x64xf32>
    %sub3A_25 = arith.subf %add3A_23, %sub3A : vector<256x64xf32>
    %exp3A = math.exp %sub3A_25 : vector<256x64xf32>
    %reduce_sum3A = arith.constant dense<0.000000e+00> : vector<256xf32>
    %reduce_sum3A_26 = vector.multi_reduction <add>, %exp3A, %reduce_sum3A [1] : vector<256x64xf32> to vector<256xf32>
    %broadcast_in_dim3A_27 = vector.shape_cast %reduce_sum3A_26 : vector<256xf32> to vector<256x1xf32>
    %div3A = arith.constant 1.000000e+00 : f32
    %div3A_28 = vector.broadcast %div3A : f32 to vector<256x1xf32>
    %div3A_29 = arith.divf %div3A_28, %broadcast_in_dim3A_27 : vector<256x1xf32>
    %iota3A = tpu.iota {dimensions = array<i32: 1>} : vector<256x64xi32>
    %eq3A = vector.broadcast %broadcast_in_dim3A : vector<256x1xf32> to vector<256x64xf32>
    %eq3A_30 = arith.cmpf oeq, %add3A_23, %eq3A : vector<256x64xf32>
    %jit3A = arith.constant 1073741824 : i32
    %broadcast_in_dim3A_31 = vector.broadcast %jit3A : i32 to vector<256x64xi32>
    %select_n3A = arith.select %eq3A_30, %iota3A, %broadcast_in_dim3A_31 : vector<256x64xi1>, vector<256x64xi32>
    %reduce_min3A = arith.constant dense<2147483647> : vector<256xi32>
    %reduce_min3A_32 = vector.multi_reduction <minsi>, %select_n3A, %reduce_min3A [1] : vector<256x64xi32> to vector<256xi32>
    %broadcast_in_dim3A_33 = vector.shape_cast %reduce_min3A_32 : vector<256xi32> to vector<256x1xi32>
    %eq3A_34 = vector.broadcast %broadcast_in_dim3A_33 : vector<256x1xi32> to vector<256x64xi32>
    %eq3A_35 = arith.cmpi eq, %iota3A, %eq3A_34 : vector<256x64xi32>
    %convert_element_type3A = arith.extui %eq3A_35 : vector<256x64xi1> to vector<256x64xi32>
    %convert_element_type3A_36 = arith.sitofp %convert_element_type3A : vector<256x64xi32> to vector<256x64xf32>
    %swap3A_37 = arith.constant 0 : index
    %swap3A_38 = arith.constant 0 : index
    %swap3A_39 = vector.load %arg7[%swap3A_37, %swap3A_38] : memref<256x64xf32, #tpu.memory_space<vmem>>, vector<256x64xf32>
    tpu.vector_store %arg7[%swap3A_37, %swap3A_38], %convert_element_type3A_36 {strides = array<i32>} : memref<256x64xf32, #tpu.memory_space<vmem>>, vector<256x64xf32>,
    %mul3A = vector.broadcast %div3A_29 : vector<256x1xf32> to vector<256x64xf32>
    %mul3A_40 = arith.mulf %convert_element_type3A_36, %mul3A : vector<256x64xf32>
    %swap3A_41 = arith.constant 0 : index
    %swap3A_42 = arith.constant 0 : index
    %swap3A_43 = vector.load %arg8[%swap3A_41, %swap3A_42] : memref<256x64xf32, #tpu.memory_space<vmem>>, vector<256x64xf32>
    tpu.vector_store %arg8[%swap3A_41, %swap3A_42], %mul3A_40 {strides = array<i32>} : memref<256x64xf32, #tpu.memory_space<vmem>>, vector<256x64xf32>,
    return
  }
  func.func @transform_0(%arg0: i32) -> (i32, i32) {
    %c0_i32 = arith.constant 0 : i32
    %c0_i32_0 = arith.constant 0 : i32
    return %arg0, %c0_i32 : i32, i32
  }
  func.func @transform_1(%arg0: i32) -> (i32, i32) {
    %c0_i32 = arith.constant 0 : i32
    %c0_i32_0 = arith.constant 0 : i32
    %c0_i32_1 = arith.constant 0 : i32
    return %c0_i32, %c0_i32_0 : i32, i32
  }
  func.func @transform_2(%arg0: i32) -> (i32, i32) {
    %c0_i32 = arith.constant 0 : i32
    %c0_i32_0 = arith.constant 0 : i32
    %c0_i32_1 = arith.constant 0 : i32
    return %c0_i32, %c0_i32_0 : i32, i32
  }
  func.func @transform_3(%arg0: i32) -> (i32, i32) {
    %c0_i32 = arith.constant 0 : i32
    %c0_i32_0 = arith.constant 0 : i32
    %c0_i32_1 = arith.constant 0 : i32
    return %c0_i32, %c0_i32_0 : i32, i32
  }
  func.func @transform_4(%arg0: i32) -> (i32, i32) {
    %c0_i32 = arith.constant 0 : i32
    %c0_i32_0 = arith.constant 0 : i32
    %c0_i32_1 = arith.constant 0 : i32
    return %c0_i32, %c0_i32_0 : i32, i32
  }
  func.func @transform_5(%arg0: i32) -> (i32, i32) {
    %c0_i32 = arith.constant 0 : i32
    %c0_i32_0 = arith.constant 0 : i32
    return %arg0, %c0_i32 : i32, i32
  }
  func.func @transform_6(%arg0: i32) -> (i32, i32) {
    %c0_i32 = arith.constant 0 : i32
    %c0_i32_0 = arith.constant 0 : i32
    return %arg0, %c0_i32 : i32, i32
  }
  func.func @transform_7(%arg0: i32) -> (i32, i32) {
    %c0_i32 = arith.constant 0 : i32
    %c0_i32_0 = arith.constant 0 : i32
    return %arg0, %c0_i32 : i32, i32
  }
}

module attributes {stable_mosaic.version = 14 : i64} {
  func.func @_expert_body(%arg0: i32, %arg1: memref<1x64x768xf32, #tpu.memory_space<vmem>>, %arg2: memref<1x1x64xf32, #tpu.memory_space<vmem>>, %arg3: memref<1x768x256xf32, #tpu.memory_space<vmem>>, %arg4: memref<1x1x256xf32, #tpu.memory_space<vmem>>, %arg5: memref<1x256x768xf32, #tpu.memory_space<vmem>>, %arg6: memref<1x1x768xf32, #tpu.memory_space<vmem>>, %arg7: memref<768x1000xf32, #tpu.memory_space<vmem>>, %arg8: memref<1x1000xf32, #tpu.memory_space<vmem>>, %arg9: memref<1x1000xf32, #tpu.memory_space<vmem>>, %arg10: memref<1x768xf32, #tpu.memory_space<vmem>>) attributes {dimension_semantics = [#tpu.dimension_semantics<arbitrary>], iteration_bounds = array<i64: 64>, scalar_prefetch = 0 : i64, scratch_operands = 1 : i64, tpu.core_type = #tpu.core_type<tc>, window_params = [{transform_indices = @transform_0, window_bounds = array<i64: 1, 64, 768>}, {transform_indices = @transform_1, window_bounds = array<i64: 1, 1, 64>}, {transform_indices = @transform_2, window_bounds = array<i64: 1, 768, 256>}, {transform_indices = @transform_3, window_bounds = array<i64: 1, 1, 256>}, {transform_indices = @transform_4, window_bounds = array<i64: 1, 256, 768>}, {transform_indices = @transform_5, window_bounds = array<i64: 1, 1, 768>}, {pipeline_mode = #tpu.pipeline_mode<synchronous>, transform_indices = @transform_6, window_bounds = array<i64: 768, 1000>}, {pipeline_mode = #tpu.pipeline_mode<synchronous>, transform_indices = @transform_7, window_bounds = array<i64: 1, 1000>}, {pipeline_mode = #tpu.pipeline_mode<synchronous>, transform_indices = @transform_8, window_bounds = array<i64: 1, 1000>}]} {
    %eq3A = arith.constant 0 : i32
    %eq3A_0 = arith.cmpi eq, %arg0, %eq3A : i32
    %convert_element_type3A = arith.extui %eq3A_0 : i1 to i32
    %cond3A = arith.constant 0 : i32
    %cond3A_1 = arith.cmpi ne, %convert_element_type3A, %cond3A : i32
    scf.if %cond3A_1 {
      %broadcast_in_dim3A = arith.constant 0.000000e+00 : f32
      %broadcast_in_dim3A_60 = vector.broadcast %broadcast_in_dim3A : f32 to vector<1x768xf32>
      %swap3A_61 = arith.constant 0 : index
      %swap3A_62 = arith.constant 0 : index
      %swap3A_63 = vector.load %arg10[%swap3A_61, %swap3A_62] : memref<1x768xf32, #tpu.memory_space<vmem>>, vector<1x768xf32>
      tpu.vector_store %arg10[%swap3A_61, %swap3A_62], %broadcast_in_dim3A_60 {strides = array<i32>} : memref<1x768xf32, #tpu.memory_space<vmem>>, vector<1x768xf32>,
    } else {
    }
    %get3A = arith.constant 0 : index
    %get3A_2 = arith.constant 0 : index
    %get3A_3 = arith.constant 0 : index
    %get3A_4 = vector.load %arg1[%get3A, %get3A_2, %get3A_3] : memref<1x64x768xf32, #tpu.memory_space<vmem>>, vector<1x64x768xf32>
    %get3A_5 = vector.shape_cast %get3A_4 : vector<1x64x768xf32> to vector<64x768xf32>
    %convert_element_type3A_6 = arith.truncf %get3A_5 : vector<64x768xf32> to vector<64x768xbf16>
    %get3A_7 = arith.constant 0 : index
    %get3A_8 = arith.constant 0 : index
    %get3A_9 = arith.constant 0 : index
    %get3A_10 = vector.load %arg3[%get3A_7, %get3A_8, %get3A_9] : memref<1x768x256xf32, #tpu.memory_space<vmem>>, vector<1x768x256xf32>
    %get3A_11 = vector.shape_cast %get3A_10 : vector<1x768x256xf32> to vector<768x256xf32>
    %convert_element_type3A_12 = arith.truncf %get3A_11 : vector<768x256xf32> to vector<768x256xbf16>
    %dot_general3A = arith.constant dense<0.000000e+00> : vector<64x256xf32>
    %dot_general3A_13 = tpu.matmul %convert_element_type3A_6, %convert_element_type3A_12, %dot_general3A {dimension_numbers = #tpu.dot_dimension_numbers<[1], [0], [0], [1], [0, 0, 1, 1], [], []>, transpose_lhs_hint = false} : vector<64x768xbf16>, vector<768x256xbf16>, vector<64x256xf32> -> vector<64x256xf32>
    %get3A_14 = arith.constant 0 : index
    %get3A_15 = arith.constant 0 : index
    %get3A_16 = arith.constant 0 : index
    %get3A_17 = vector.load %arg4[%get3A_14, %get3A_15, %get3A_16] : memref<1x1x256xf32, #tpu.memory_space<vmem>>, vector<1x1x256xf32>
    %get3A_18 = vector.shape_cast %get3A_17 : vector<1x1x256xf32> to vector<1x256xf32>
    %add3A = vector.broadcast %get3A_18 : vector<1x256xf32> to vector<64x256xf32>
    %add3A_19 = arith.addf %dot_general3A_13, %add3A : vector<64x256xf32>
    %max3A = arith.constant 0.000000e+00 : f32
    %max3A_20 = vector.broadcast %max3A : f32 to vector<64x256xf32>
    %max3A_21 = arith.maximumf %add3A_19, %max3A_20 : vector<64x256xf32>
    %get3A_22 = arith.constant 0 : index
    %get3A_23 = arith.constant 0 : index
    %get3A_24 = arith.constant 0 : index
    %get3A_25 = vector.load %arg2[%get3A_22, %get3A_23, %get3A_24] : memref<1x1x64xf32, #tpu.memory_space<vmem>>, vector<1x1x64xf32>
    %get3A_26 = vector.shape_cast %get3A_25 : vector<1x1x64xf32> to vector<1x64xf32>
    %dot_general3A_27 = arith.constant dense<0.000000e+00> : vector<1x256xf32>
    %dot_general3A_28 = tpu.matmul %get3A_26, %max3A_21, %dot_general3A_27 {dimension_numbers = #tpu.dot_dimension_numbers<[1], [0], [0], [1], [0, 0, 1, 1], [], []>, transpose_lhs_hint = false} : vector<1x64xf32>, vector<64x256xf32>, vector<1x256xf32> -> vector<1x256xf32>
    %convert_element_type3A_29 = arith.truncf %dot_general3A_28 : vector<1x256xf32> to vector<1x256xbf16>
    %get3A_30 = arith.constant 0 : index
    %get3A_31 = arith.constant 0 : index
    %get3A_32 = arith.constant 0 : index
    %get3A_33 = vector.load %arg5[%get3A_30, %get3A_31, %get3A_32] : memref<1x256x768xf32, #tpu.memory_space<vmem>>, vector<1x256x768xf32>
    %get3A_34 = vector.shape_cast %get3A_33 : vector<1x256x768xf32> to vector<256x768xf32>
    %convert_element_type3A_35 = arith.truncf %get3A_34 : vector<256x768xf32> to vector<256x768xbf16>
    %dot_general3A_36 = arith.constant dense<0.000000e+00> : vector<1x768xf32>
    %dot_general3A_37 = tpu.matmul %convert_element_type3A_29, %convert_element_type3A_35, %dot_general3A_36 {dimension_numbers = #tpu.dot_dimension_numbers<[1], [0], [0], [1], [0, 0, 1, 1], [], []>, transpose_lhs_hint = false} : vector<1x256xbf16>, vector<256x768xbf16>, vector<1x768xf32> -> vector<1x768xf32>
    %reduce_sum3A = vector.shape_cast %get3A_26 : vector<1x64xf32> to vector<1x1x64xf32>
    %reduce_sum3A_38 = arith.constant dense<0.000000e+00> : vector<1xf32>
    %reduce_sum3A_39 = vector.multi_reduction <add>, %reduce_sum3A, %reduce_sum3A_38 [1, 2] : vector<1x1x64xf32> to vector<1xf32>
    %reduce_sum3A_40 = vector.shape_cast %reduce_sum3A_39 : vector<1xf32> to vector<1x1x1xf32>
    %reduce_sum3A_41 = vector.extract %reduce_sum3A_40[0, 0, 0] : f32 from vector<1x1x1xf32>
    %get3A_42 = arith.constant 0 : index
    %get3A_43 = arith.constant 0 : index
    %get3A_44 = arith.constant 0 : index
    %get3A_45 = vector.load %arg6[%get3A_42, %get3A_43, %get3A_44] : memref<1x1x768xf32, #tpu.memory_space<vmem>>, vector<1x1x768xf32>
    %get3A_46 = vector.shape_cast %get3A_45 : vector<1x1x768xf32> to vector<1x768xf32>
    %mul3A = vector.broadcast %reduce_sum3A_41 : f32 to vector<1x768xf32>
    %mul3A_47 = arith.mulf %mul3A, %get3A_46 : vector<1x768xf32>
    %add3A_48 = arith.addf %dot_general3A_37, %mul3A_47 : vector<1x768xf32>
    %get3A_49 = arith.constant 0 : index
    %get3A_50 = arith.constant 0 : index
    %get3A_51 = vector.load %arg10[%get3A_49, %get3A_50] : memref<1x768xf32, #tpu.memory_space<vmem>>, vector<1x768xf32>
    %add3A_52 = arith.addf %get3A_51, %add3A_48 : vector<1x768xf32>
    %swap3A = arith.constant 0 : index
    %swap3A_53 = arith.constant 0 : index
    %swap3A_54 = vector.load %arg10[%swap3A, %swap3A_53] : memref<1x768xf32, #tpu.memory_space<vmem>>, vector<1x768xf32>
    tpu.vector_store %arg10[%swap3A, %swap3A_53], %add3A_52 {strides = array<i32>} : memref<1x768xf32, #tpu.memory_space<vmem>>, vector<1x768xf32>,
    %eq3A_55 = arith.constant 63 : i32
    %eq3A_56 = arith.cmpi eq, %arg0, %eq3A_55 : i32
    %convert_element_type3A_57 = arith.extui %eq3A_56 : i1 to i32
    %cond3A_58 = arith.constant 0 : i32
    %cond3A_59 = arith.cmpi ne, %convert_element_type3A_57, %cond3A_58 : i32
    scf.if %cond3A_59 {
      %get3A_60 = arith.constant 0 : index
      %get3A_61 = arith.constant 0 : index
      %get3A_62 = vector.load %arg10[%get3A_60, %get3A_61] : memref<1x768xf32, #tpu.memory_space<vmem>>, vector<1x768xf32>
      %mul3A_63 = arith.constant 4.8828125E-4 : f32
      %mul3A_64 = vector.broadcast %mul3A_63 : f32 to vector<1x768xf32>
      %mul3A_65 = arith.mulf %get3A_62, %mul3A_64 : vector<1x768xf32>
      %get3A_66 = arith.constant 0 : index
      %get3A_67 = arith.constant 0 : index
      %get3A_68 = vector.load %arg7[%get3A_66, %get3A_67] : memref<768x1000xf32, #tpu.memory_space<vmem>>, vector<768x1000xf32>
      %dot_general3A_69 = arith.constant dense<0.000000e+00> : vector<1x1000xf32>
      %dot_general3A_70 = tpu.matmul %mul3A_65, %get3A_68, %dot_general3A_69 {dimension_numbers = #tpu.dot_dimension_numbers<[1], [0], [0], [1], [0, 0, 1, 1], [], []>, transpose_lhs_hint = false} : vector<1x768xf32>, vector<768x1000xf32>, vector<1x1000xf32> -> vector<1x1000xf32>
      %get3A_71 = arith.constant 0 : index
      %get3A_72 = arith.constant 0 : index
      %get3A_73 = vector.load %arg8[%get3A_71, %get3A_72] : memref<1x1000xf32, #tpu.memory_space<vmem>>, vector<1x1000xf32>
      %add3A_74 = arith.addf %dot_general3A_70, %get3A_73 : vector<1x1000xf32>
      %swap3A_75 = arith.constant 0 : index
      %swap3A_76 = arith.constant 0 : index
      %swap3A_77 = vector.load %arg9[%swap3A_75, %swap3A_76] : memref<1x1000xf32, #tpu.memory_space<vmem>>, vector<1x1000xf32>
      tpu.vector_store %arg9[%swap3A_75, %swap3A_76], %add3A_74 {strides = array<i32>} : memref<1x1000xf32, #tpu.memory_space<vmem>>, vector<1x1000xf32>,
    } else {
    }
    return
  }
  func.func @transform_0(%arg0: i32) -> (i32, i32, i32) {
    %c0_i32 = arith.constant 0 : i32
    %c0_i32_0 = arith.constant 0 : i32
    %c0_i32_1 = arith.constant 0 : i32
    return %arg0, %c0_i32, %c0_i32_0 : i32, i32, i32
  }
  func.func @transform_1(%arg0: i32) -> (i32, i32, i32) {
    %c0_i32 = arith.constant 0 : i32
    %c0_i32_0 = arith.constant 0 : i32
    %c0_i32_1 = arith.constant 0 : i32
    return %arg0, %c0_i32, %c0_i32_0 : i32, i32, i32
  }
  func.func @transform_2(%arg0: i32) -> (i32, i32, i32) {
    %c0_i32 = arith.constant 0 : i32
    %c0_i32_0 = arith.constant 0 : i32
    %c0_i32_1 = arith.constant 0 : i32
    return %arg0, %c0_i32, %c0_i32_0 : i32, i32, i32
  }
  func.func @transform_3(%arg0: i32) -> (i32, i32, i32) {
    %c0_i32 = arith.constant 0 : i32
    %c0_i32_0 = arith.constant 0 : i32
    %c0_i32_1 = arith.constant 0 : i32
    return %arg0, %c0_i32, %c0_i32_0 : i32, i32, i32
  }
  func.func @transform_4(%arg0: i32) -> (i32, i32, i32) {
    %c0_i32 = arith.constant 0 : i32
    %c0_i32_0 = arith.constant 0 : i32
    %c0_i32_1 = arith.constant 0 : i32
    return %arg0, %c0_i32, %c0_i32_0 : i32, i32, i32
  }
  func.func @transform_5(%arg0: i32) -> (i32, i32, i32) {
    %c0_i32 = arith.constant 0 : i32
    %c0_i32_0 = arith.constant 0 : i32
    %c0_i32_1 = arith.constant 0 : i32
    return %arg0, %c0_i32, %c0_i32_0 : i32, i32, i32
  }
  func.func @transform_6(%arg0: i32) -> (i32, i32) {
    %c0_i32 = arith.constant 0 : i32
    %c0_i32_0 = arith.constant 0 : i32
    %c0_i32_1 = arith.constant 0 : i32
    return %c0_i32, %c0_i32_0 : i32, i32
  }
  func.func @transform_7(%arg0: i32) -> (i32, i32) {
    %c0_i32 = arith.constant 0 : i32
    %c0_i32_0 = arith.constant 0 : i32
    %c0_i32_1 = arith.constant 0 : i32
    return %c0_i32, %c0_i32_0 : i32, i32
  }
  func.func @transform_8(%arg0: i32) -> (i32, i32) {
    %c0_i32 = arith.constant 0 : i32
    %c0_i32_0 = arith.constant 0 : i32
    %c0_i32_1 = arith.constant 0 : i32
    return %c0_i32, %c0_i32_0 : i32, i32
  }
}

</mosaic_0001>

<sc_bundles>
// kernel: kernel.6.cloned.1.call-start
scs
__scs_entry_jumppad:
0x0: {  	(pc) =	sbr.rel $0x88, $3  }
0x1: {  	(tag) =	ssettag $0x0;
	lr =	simm.s32 $0x1  }
0x2: {  	[smem:$0x3F96] =	sst lr;
	_ =	strace $0xD0000000  }
0x3: {  	_ = 	snop  }
0x4: {  	_ = 	snop  }
0x5: {  	_ = 	snop  }
0x6: {  	_ = 	snop  }
0x7: {  	_ = 	snop  }
__scs_overlays_trampoline_lowered:
0x8: {  	[smem:$0x3FA5] =	sst s0  }
0x9: {  	[smem:$0x3FA6] =	sst s1  }
0xa: {  	[smem:$0x3FA7] =	sst s2  }
0xb: {  	[smem:$0x3FA8] =	sst s3  }
0xc: {  	[smem:$0x3FA9] =	sst s4  }
0xd: {  	[smem:$0x3FAA] =	sst s5  }
0xe: {  	[smem:$0x3FAB] =	sst s6  }
0xf: {  	[smem:$0x3FAC] =	sst s7  }
0x10: {  	[smem:$0x3FAD] =	sst s8  }
0x11: {  	[smem:$0x3FAE] =	sst s9;
	s0 =	simm.s32 @!p0 $0x0  }
0x12: {  	s1 =	sld [smem:$0x3F94];
	s0 =	simm.s32 @p0 $0x1  }
0x13: {  	[smem:$0x3FAF] =	sst s0;
	s0 =	simm.s32 @!p1 $0x0  }
0x14: {  	s2 =	sld [smem:$0x3F93];
	s0 =	simm.s32 @p1 $0x1  }
0x15: {  	[smem:$0x3FB0] =	sst s0;
	s0 =	simm.s32 @!p2 $0x0  }
0x16: {  	s3 =	sld [smem:$0x3FDB];
	s0 =	simm.s32 @p2 $0x1  }
0x17: {  	s4 =	simm.s32 $0x1BF5;
	[smem:$0x3FB2] =	sst s0  }
0x18: {  	s0 =	sld [smem:$0x3F95];
	_ =	swait.ge [sflag:s4], $0x0  }
0x19: {  	s7 =	sld [smem:$0x3F96]  }
0x1a: {  	s8 =	sadd.s32 $0xFFFFE003, lr  }
0x1b: {  	s9 =	sadd.s32 $0xFFFFFEF7, lr;
	s5 =	simm.s32 $0xFFFFFFFF;
	p2 =	slt.u32 s8, $0xFFFFF086  }
0x1c: {  	p1 =	slt.u32 s9, $0xF7A;
	s5 =	simm.s32 @!p2 $0x0  }
0x1d: {  	s5 =	simm.s32 @p1 $0x1;
	p0 =	seq.s32 s7, s2  }
0x1e: {  	s7 =	smul.u32 @!p0 $0xF7A, s2;
	p2 =	seq.s32 @!p0 s5, $0x0  }
0x1f: {  	s9 =	smul.u32 $0xF7A, s1;
	s8 =	simm.s32 @!p0 $0x1BF5;
	p2 =	por !p2, p0  }
0x20: {  	[sflag:s8] =	ssyncset.s32 @!p0 $0xFFFFF086;
	s6 =	sadd.s32 @!p0 s3, s7;
	s7 =	simm.s32 @!p0 $0x108  }
0x21: {  	s3 =	sadd.s32 s3, s9;
	s6 =	sadd.s32 @!p0 $0x88, s6;
	s7 =	simm.s32 @p2 $0x1082  }
0x22: {  	[simem:s7], [sflag:s8] =	dma.local @!p0 [hbm:s6], $0xF7A  }
0x23: {  	s9 =	sor.u32 $0xD0000000, s2;
	s6 =	simm.s32 $0x108;
	_ =	swait.ge @!p0 [sflag:s8], $0x0  }
0x24: {  	s3 =	sadd.s32 $0x88, s3;
	s6 =	simm.s32 @!p1 $0x1082;
	[sflag:s4] =	ssyncset.s32 $0xFFFFF086  }
0x25: {  	[simem:s6], [sflag:s4] =	dma.local [hbm:s3], $0xF7A  }
0x26: {  	[smem:$0x3F96] =	sst s1;
	(tag) =	ssettag s2;
	_ =	strace s9  }
0x27: {  	s1 =	sld [smem:$0x3FA6]  }
0x28: {  	s2 =	sld [smem:$0x3FA7]  }
0x29: {  	s4 =	sld [smem:$0x3FA9]  }
0x2a: {  	p0 =	seq.s32 s5, $0x0;
	s5 =	sld [smem:$0x3FAA]  }
0x2b: {  	s6 =	sld [smem:$0x3FAB]  }
0x2c: {  	s7 =	sld [smem:$0x3FAC]  }
0x2d: {  	s3 =	simm.s32 $0x108;
	s8 =	sld [smem:$0x3FAD]  }
0x2e: {  	s3 =	simm.s32 @!p0 $0x1082;
	s9 =	sld [smem:$0x3FAE]  }
0x2f: {  	lr =	sadd.s32 s0, s3;
	s0 =	sld [smem:$0x3FA5]  }
0x30: {  	s3 =	sld [smem:$0x3FA8]  }
0x31: {  	[smem:$0x3FB1] =	sst s10  }
0x32: {  	s10 =	sld [smem:$0x3FAF];
	_ =	sdelay $0x3  }
0x33: {  	p0 =	seq.s32 s10, $0x1;
	s10 =	sld [smem:$0x3FB1];
	_ =	sdelay $0x3  }
0x34: {  	[smem:$0x3FB1] =	sst s10  }
0x35: {  	s10 =	sld [smem:$0x3FB0];
	_ =	sdelay $0x3  }
0x36: {  	p1 =	seq.s32 s10, $0x1;
	s10 =	sld [smem:$0x3FB1];
	_ =	sdelay $0x3  }
0x37: {  	[smem:$0x3FB1] =	sst s10  }
0x38: {  	s10 =	sld [smem:$0x3FB2]  }
0x39: {  	_ = 	snop;
	(pc) =	sbr.ind lr, $3  }
0x3a: {  	_ = 	snop  }
0x3b: {  	_ = 	snop  }
0x3c: {  	p2 =	seq.s32 s10, $0x1;
	s10 =	sld [smem:$0x3FB1]  }
0x3d: {  	_ =	shalt  }
0x3e: {  	_ =	shalt  }
0x3f: {  	_ =	shalt  }
0x40: {  	_ =	shalt  }
0x41: {  	_ =	shalt  }
0x42: {  	_ =	shalt  }
0x43: {  	_ =	shalt  }
0x44: {  	_ =	shalt  }
0x45: {  	_ =	shalt  }
0x46: {  	_ =	shalt  }
0x47: {  	_ =	shalt  }
0x48: {  	_ =	shalt  }
0x49: {  	_ =	shalt  }
0x4a: {  	_ =	shalt  }
0x4b: {  	_ =	shalt  }
0x4c: {  	_ =	shalt  }
0x4d: {  	_ =	shalt  }
0x4e: {  	_ =	shalt  }
0x4f: {  	_ =	shalt  }
0x50: {  	_ =	shalt  }
0x51: {  	_ =	shalt  }
0x52: {  	_ =	shalt  }
0x53: {  	_ =	shalt  }
0x54: {  	_ =	shalt  }
0x55: {  	_ =	shalt  }
0x56: {  	_ =	shalt  }
0x57: {  	_ =	shalt  }
0x58: {  	_ =	shalt  }
0x59: {  	_ =	shalt  }
0x5a: {  	_ =	shalt  }
0x5b: {  	_ =	shalt  }
0x5c: {  	_ =	shalt  }
0x5d: {  	_ =	shalt  }
0x5e: {  	_ =	shalt  }
0x5f: {  	_ =	shalt  }
0x60: {  	_ =	shalt  }
0x61: {  	_ =	shalt  }
0x62: {  	_ =	shalt  }
0x63: {  	_ =	shalt  }
0x64: {  	_ =	shalt  }
0x65: {  	_ =	shalt  }
0x66: {  	_ =	shalt  }
0x67: {  	_ =	shalt  }
0x68: {  	_ =	shalt  }
0x69: {  	_ =	shalt  }
0x6a: {  	_ =	shalt  }
0x6b: {  	_ =	shalt  }
0x6c: {  	_ =	shalt  }
0x6d: {  	_ =	shalt  }
0x6e: {  	_ =	shalt  }
0x6f: {  	_ =	shalt  }
0x70: {  	_ =	shalt  }
0x71: {  	_ =	shalt  }
0x72: {  	_ =	shalt  }
0x73: {  	_ =	shalt  }
0x74: {  	_ =	shalt  }
0x75: {  	_ =	shalt  }
0x76: {  	_ =	shalt  }
0x77: {  	_ =	shalt  }
0x78: {  	_ =	shalt  }
0x79: {  	_ =	shalt  }
0x7a: {  	_ =	shalt  }
0x7b: {  	_ =	shalt  }
0x7c: {  	_ =	shalt  }
0x7d: {  	_ =	shalt  }
0x7e: {  	_ =	shalt  }
0x7f: {  	_ =	shalt  }
0x80: {  	_ =	shalt  }
0x81: {  	_ =	shalt  }
0x82: {  	_ =	shalt  }
0x83: {  	_ =	shalt  }
0x84: {  	_ =	shalt  }
0x85: {  	_ =	shalt  }
0x86: {  	_ =	shalt  }
0x87: {  	_ =	shalt  }
.Lfunc_end0:
.L_simem_size_0:
called_computation_lowered:
.L_overlay_start_0:
0x88: {  	s2 =	sld [smem:$0x3FD9]  }
0x89: {  	s3 =	sld [smem:$0x3FFE];
	_ =	sdelay $0x1  }
0x8a: {  	s1 =	srdreg.scid  }
0x8b: {  	s0 =	sand.u32 $0x1, s1  }
0x8c: {  	s16 =	sshll.u32 s0, $0xA;
	s2 =	sadd.s32 s3, s2  }
0x8d: {  	s2 =	sadd.s32 s2, s16  }
0x8e: {  	[smem:$0x3FBD] =	sst s2  }
0x8f: {  	_ = 	snop  }
0x90: {  	(tm) =	ssettm $0x1  }
0x91: {  	s17 =	sld [smem:$0x3FFB];
	_ =	sdelay $0x3  }
0x92: {  	_ =	strace s17  }
0x93: {  	s2 =	sld [smem:$0x3FFC];
	_ =	sdelay $0x3  }
0x94: {  	_ =	strace s2  }
0x95: {  	s2 =	sld [smem:$0x3FFD];
	_ =	sdelay $0x3  }
0x96: {  	_ =	strace s2  }
0x97: {  	_ =	strace $0x8FFFFFFF  }
0x98: {  	s18 =	sld [smem:$0x3FDB];
	_ =	sdelay $0x1  }
0x99: {  	s19 =	simm.s32 $_scs_section_size  }
0x9a: {  	s4 =	simm.s32 $_size__tile_overlayer_lowered;
	s5 =	simm.s32 $_tile_overlayer_lowered  }
0x9b: {  	s22 =	simm.s32 $0x1BFF;
	s21 =	sshll.u32 s5, $0x1;
	s2 =	sadd.s32 s19, s18  }
0x9c: {  	s6 =	simm.s32 $0x0;
	s20 =	sshll.u32 s4, $0x1;
	s4 =	sadd.s32 s21, s2  }
0x9d: {  	[timem:s6], [sflag:s22] =	dma.local [hbm:s4], s20  }
0x9e: {  	_ =	swait.ge [sflag:s22], s20  }
0x9f: {  	s3 =	ssub.s32 $0x0, s20;
	[sflag:s22] =	ssyncset.done $0x0  }
0xa0: {  	[sflag:s22] =	ssyncadd.s32 s3;
	_ =	sdelay $0x1  }
0xa1: {  	s23 =	simm.s32 $0x1B8B  }
0xa2: {  	_ =	swait.ge [sflag:s23], $0x1  }
0xa3: {  	[sflag:s23] =	ssyncset.done $0x0  }
0xa4: {  	s25 =	simm.s32 $0x1B8E;
	s24 =	sld [smem:$0x3FFE];
	[sflag:s23] =	ssyncadd.s32 $0xFFFFFFFF  }
0xa5: {  	s26 =	simm.s32 $execute0_lowered;
	[smem:$0x3FD2] =	sst s25  }
0xa6: {  	s4 =	sshll.u32 s26, $0x1;
	_ =	strace $0x80000046;
	[dreg:$0x1] =	wrdreg $0xFFFFFFFF  }
0xa7: {  	s28 =	simm.s32 $_size_execute0_lowered;
	s2 =	sadd.s32 s2, s4;
	[dreg:$0x0] =	wrdreg $0x0  }
0xa8: {  	s4 =	sshll.u32 s28, $0x1;
	[dreg:$0x2] =	wrdreg s2  }
0xa9: {  	[dreg:$0x3] =	wrdreg s4  }
0xaa: {  	[dreg:$0x4] =	wrdreg $0xC0  }
0xab: {  	_ =	task [dreg:s6], $0x5FFFF  }
0xac: {  	[dreg:$0x1] =	wrdreg $0xFFFFFFFF  }
0xad: {  	[dreg:$0x0] =	wrdreg $0x60  }
0xae: {  	[dreg:$0x2] =	wrdreg s24  }
0xaf: {  	[dreg:$0x3] =	wrdreg $0x9  }
0xb0: {  	_ =	task.clear_ibuf [dreg:s6], $0x4FFFF;
	_ =	strace $0x90000046  }
0xb1: {  	s29 =	simm.s32 $0x9;
	_ =	strace $0x80000048  }
0xb2: {  	_ =	swait.ge [sflag:s29], $0x1  }
0xb3: {  	[sflag:s29] =	ssyncadd.s32 $0xFFFFFFFF  }
0xb4: {  	_ =	strace $0x90000048  }
0xb5: {  	_ =	sfence  }
0xb6: {  	s30 =	sld [smem:$0x0];
	_ =	sdelay $0x2  }
0xb7: {  	s31 =	sshll.u32 s1, $0xD;
	s1 =	sshrl.u32 s1, $0x2  }
0xb8: {  	s3 =	sand.u32 $0x4000, s31;
	s1 =	sadd.s32 s1, s30  }
0xb9: {  	s0 =	sor.u32 s3, s0;
	s1 =	sshll.u32 s1, $0x11  }
0xba: {  	s0 =	sor.u32 s1, s0  }
0xbb: {  	s0 =	sadd.s32 $0x8F2B, s0  }
0xbc: {  	[sflag:s0] =	ssyncadd.remote.s32 $0x1  }
0xbd: {  	_ =	sfence.sel $0xFFFF  }
0xbe: {  	[dreg:$0x0] =	wrdreg $0xFFFFFFFF;
	(pc) =	sbr.abs _section_cstart, $3  }
0xbf: {  	[dreg:$0x1] =	wrdreg $0xFFFFFFFF  }
0xc0: {  	_ =	task.clear_ibuf [dreg:s6], $0x2FFFF;
	_ =	strace $0x9FFFFFFF  }
0xc1: {  	(tm) =	ssettm $0x7FFFFFFF  }
tec
execute0_lowered:
.L_overlay_start_1:
0x0: {  	(tag) =	ssettag $0x1  }
0x1: {  	s1 =	srdreg.scid  }
0x2: {  	s0 =	stileid.u32;
	s1 =	sand.u32 $0x1, s1  }
0x3: {  	s2 =	sshll.u32 s0, $0x5;
	s3 =	sshll.u32 s1, $0x4  }
0x4: {  	s5 =	rddreg [dreg:$0x0];
	s3 =	sor.u32 s3, s2;
	s2 =	simm.s32 $0x0  }
0x5: {  	s26 =	simm.s32 $0x880;
	[smem:$0x7FF] =	sst s2  }
0x6: {  	s0 =	simm.s32 $0x1080;
	_ =	strace $0x80000047;
	[dreg:$0x4] =	wrdreg s26  }
0x7: {  	s6 =	simm.s32 $0x2080;
	[dreg:$0x5] =	wrdreg s0  }
0x8: {  	s7 =	simm.s32 $0x2880;
	[dreg:$0x7] =	wrdreg s6  }
0x9: {  	s8 =	simm.s32 $0x3080;
	[dreg:$0x8] =	wrdreg s7  }
0xa: {  	s9 =	simm.s32 $0x3880;
	[dreg:$0x9] =	wrdreg s8  }
0xb: {  	s10 =	simm.s32 $0x4080;
	[dreg:$0xa] =	wrdreg s9  }
0xc: {  	s11 =	simm.s32 $0x4880;
	[dreg:$0xb] =	wrdreg s10  }
0xd: {  	s12 =	simm.s32 $0x5080;
	[dreg:$0xc] =	wrdreg s11  }
0xe: {  	s13 =	simm.s32 $0x5880;
	[dreg:$0xd] =	wrdreg s12  }
0xf: {  	s14 =	simm.s32 $0x6080;
	[dreg:$0xe] =	wrdreg s13  }
0x10: {  	s15 =	simm.s32 $0x6880;
	[dreg:$0xf] =	wrdreg s14  }
0x11: {  	s16 =	simm.s32 $0x7080;
	[dreg:$0x10] =	wrdreg s15  }
0x12: {  	s17 =	simm.s32 $0x7880;
	s18 =	simm.s32 $0x8080;
	[dreg:$0x11] =	wrdreg s16  }
0x13: {  	s19 =	simm.s32 $0x8880;
	s20 =	simm.s32 $0x9080;
	[dreg:$0x12] =	wrdreg s17  }
0x14: {  	s21 =	simm.s32 $0x9880;
	s22 =	simm.s32 $0xA080;
	[dreg:$0x13] =	wrdreg s18  }
0x15: {  	s23 =	simm.s32 $0xA880;
	s24 =	simm.s32 $0xB880;
	[dreg:$0x14] =	wrdreg s19  }
0x16: {  	s28 =	simm.s32 $0x16080;
	s29 =	simm.s32 $0x16880;
	[dreg:$0x15] =	wrdreg s20  }
0x17: {  	s30 =	simm.s32 $0x17080;
	s31 =	simm.s32 $0x17880;
	[dreg:$0x16] =	wrdreg s21  }
0x18: {  	s4 =	smul.u32 $0x300, s3;
	s3 =	sadd.s32 s3, s5;
	[dreg:$0x17] =	wrdreg s22  }
0x19: {  	s1 =	ssub.s32 $0x2, s1;
	s3 =	sadd.s32 $0x31A00, s3;
	[dreg:$0x18] =	wrdreg s23  }
0x1a: {  	s6 =	sshrl.u32 s1, $0x1;
	s7 =	simm.s32 $0xB080;
	[dreg:$0x1a] =	wrdreg s24  }
0x1b: {  	s8 =	simm.s32 $0x80;
	s26 =	simm.s32 $0xC880;
	s10 =	simm.s32 $0xD880  }
0x1c: {  	s11 =	simm.s32 $0xE080;
	s12 =	simm.s32 $0xE880;
	s13 =	simm.s32 $0xF080  }
0x1d: {  	s14 =	simm.s32 $0xF880;
	s15 =	simm.s32 $0x10080;
	s16 =	simm.s32 $0x10880  }
0x1e: {  	s17 =	simm.s32 $0x11080;
	s18 =	simm.s32 $0x11880;
	s19 =	simm.s32 $0x12080  }
0x1f: {  	s20 =	simm.s32 $0x12880;
	s21 =	simm.s32 $0x13080;
	s22 =	simm.s32 $0x13880  }
0x20: {  	s23 =	simm.s32 $0x14080;
	s24 =	simm.s32 $0x14880;
	[dreg:$0x2] =	wrdreg s3  }
0x21: {  	s4 =	sadd.s32 s4, s5;
	s3 =	sadd.s32 $0x1A00, s5;
	[dreg:$0x19] =	wrdreg s7  }
0x22: {  	s1 =	ssub.s32 s1, s6;
	s7 =	simm.s32 $0x2;
	[dreg:$0x1c] =	wrdreg s26  }
0x23: {  	s26 =	simm.s32 $0x15880;
	s25 =	sadd.s32 $0x31C00, s4;
	s4 =	simm.s32 $0x1880  }
0x24: {  	v2 =	vlaneseq.u32;
	s6 =	smax.u32 s1, $0x1;
	s1 =	simm.s32 $0x1;
	[dreg:$0x3] =	wrdreg s25  }
0x25: {  	vm0 =	vmmov $0xffff;
	v1 =	vshrl.u32 v2, $0x3;
	[dreg:$0x6] =	wrdreg s4;
	s4 =	sadd.s32 $0x1B00, s5;
	s25 =	simm.s32 $0xC080  }
0x26: {  	v0 =	vand.u32 $0x7, v2;
	v2 =	vor.u32 $0x8, v2;
	v1 =	vmul.u32 $0x8, v1;
	s5 =	sadd.s32 $0x1C00, s5;
	[dreg:$0x1b] =	wrdreg s25;
	s25 =	simm.s32 $0x15080  }
.LBB2_1:
0x27: {  	s0 =	rddreg [dreg:$0x2]  }
0x28: {  	[tilespmem:s2], [sflag:$0x2] =	stream.linear.gather [hbm4b:s0+s2], $0x80, $0x38;
	[tilespmem:$0x18080] =	vst v63  }
0x29: {  	_ =	swait.ge [sflag:s7], $0x80  }
0x2a: {  	[sflag:s7] =	ssyncset.done $0x0  }
0x2b: {  	[sflag:s7] =	ssyncadd.s32 $0xFFFFFF80  }
0x2c: {  	v3 =	vld [tilespmem:$0x0];
	_ =	sdelay $0x4  }
0x2d: {  	v4 =	vshrl.u32 v3, $0x3  }
0x2e: {  	v4 =	vmul.u32 $0x30, v4  }
0x2f: {  	v3 =	vand.u32 $0x7, v3  }
0x30: {  	v3 =	vor.u32 v3, v4  }
0x31: {  	v4 =	vperm.xlane v3, v0;
	_ =	sdelay $0x1  }
0x32: {  	v4 =	vadd.s32 v1, v4;
	_ =	sdelay $0x3  }
0x33: {  	v3 =	vperm.xlane v3, v2  }
0x34: {  	[tilespmem:s8], [sflag:$0x1] =	stream.indirect_vreg.gather [hbm4b:s3+s2], $0x80, v4, vm0, $0xb8;
	[tilespmem:$0x18080] =	vst v63  }
0x35: {  	s0 =	rddreg [dreg:$0x4];
	v3 =	vadd.s32 v1, v3  }
0x36: {  	[tilespmem:s0], [sflag:$0x1] =	stream.indirect_vreg.gather [hbm4b:s4+s2], $0x80, v4, vm0, $0xb8;
	[tilespmem:$0x18080] =	vst v63  }
0x37: {  	s9 =	rddreg [dreg:$0x5]  }
0x38: {  	[tilespmem:s9], [sflag:$0x1] =	stream.indirect_vreg.gather [hbm4b:s5+s2], $0x80, v4, vm0, $0xb8;
	[tilespmem:$0x18080] =	vst v63  }
0x39: {  	s0 =	rddreg [dreg:$0x6]  }
0x3a: {  	[tilespmem:s0], [sflag:$0x1] =	stream.indirect_vreg.gather [hbm4b:s3+s2], $0x80, v3, vm0, $0xb8;
	[tilespmem:$0x18080] =	vst v63  }
0x3b: {  	s9 =	rddreg [dreg:$0x7]  }
0x3c: {  	[tilespmem:s9], [sflag:$0x1] =	stream.indirect_vreg.gather [hbm4b:s4+s2], $0x80, v3, vm0, $0xb8;
	[tilespmem:$0x18080] =	vst v63  }
0x3d: {  	s0 =	rddreg [dreg:$0x8]  }
0x3e: {  	[tilespmem:s0], [sflag:$0x1] =	stream.indirect_vreg.gather [hbm4b:s5+s2], $0x80, v3, vm0, $0xb8;
	[tilespmem:$0x18080] =	vst v63  }
0x3f: {  	v3 =	vld [tilespmem:$0x10];
	_ =	sdelay $0x4  }
0x40: {  	v57 =	vshrl.u32 v3, $0x3  }
0x41: {  	v4 =	vmul.u32 $0x30, v57  }
0x42: {  	v3 =	vand.u32 $0x7, v3  }
0x43: {  	v3 =	vor.u32 v3, v4  }
0x44: {  	v4 =	vperm.xlane v3, v0;
	_ =	sdelay $0x1  }
0x45: {  	v4 =	vadd.s32 v1, v4;
	_ =	sdelay $0x3  }
0x46: {  	s0 =	rddreg [dreg:$0x9];
	v3 =	vperm.xlane v3, v2  }
0x47: {  	[tilespmem:s0], [sflag:$0x1] =	stream.indirect_vreg.gather [hbm4b:s3+s2], $0x80, v4, vm0, $0xb8;
	[tilespmem:$0x18080] =	vst v63  }
0x48: {  	s9 =	rddreg [dreg:$0xa];
	v3 =	vadd.s32 v1, v3  }
0x49: {  	[tilespmem:s9], [sflag:$0x1] =	stream.indirect_vreg.gather [hbm4b:s4+s2], $0x80, v4, vm0, $0xb8;
	[tilespmem:$0x18080] =	vst v63  }
0x4a: {  	s0 =	rddreg [dreg:$0xb]  }
0x4b: {  	[tilespmem:s0], [sflag:$0x1] =	stream.indirect_vreg.gather [hbm4b:s5+s2], $0x80, v4, vm0, $0xb8;
	[tilespmem:$0x18080] =	vst v63  }
0x4c: {  	s9 =	rddreg [dreg:$0xc]  }
0x4d: {  	[tilespmem:s9], [sflag:$0x1] =	stream.indirect_vreg.gather [hbm4b:s3+s2], $0x80, v3, vm0, $0xb8;
	[tilespmem:$0x18080] =	vst v63  }
0x4e: {  	s0 =	rddreg [dreg:$0xd]  }
0x4f: {  	[tilespmem:s0], [sflag:$0x1] =	stream.indirect_vreg.gather [hbm4b:s4+s2], $0x80, v3, vm0, $0xb8;
	[tilespmem:$0x18080] =	vst v63  }
0x50: {  	s9 =	rddreg [dreg:$0xe]  }
0x51: {  	[tilespmem:s9], [sflag:$0x1] =	stream.indirect_vreg.gather [hbm4b:s5+s2], $0x80, v3, vm0, $0xb8;
	[tilespmem:$0x18080] =	vst v63  }
0x52: {  	v3 =	vld [tilespmem:$0x20];
	_ =	sdelay $0x4  }
0x53: {  	v58 =	vshrl.u32 v3, $0x3  }
0x54: {  	v4 =	vmul.u32 $0x30, v58  }
0x55: {  	v3 =	vand.u32 $0x7, v3  }
0x56: {  	v3 =	vor.u32 v3, v4  }
0x57: {  	v4 =	vperm.xlane v3, v0;
	_ =	sdelay $0x1  }
0x58: {  	v4 =	vadd.s32 v1, v4;
	_ =	sdelay $0x3  }
0x59: {  	s0 =	rddreg [dreg:$0xf];
	v3 =	vperm.xlane v3, v2  }
0x5a: {  	[tilespmem:s0], [sflag:$0x1] =	stream.indirect_vreg.gather [hbm4b:s3+s2], $0x80, v4, vm0, $0xb8;
	[tilespmem:$0x18080] =	vst v63  }
0x5b: {  	s9 =	rddreg [dreg:$0x10];
	v3 =	vadd.s32 v1, v3  }
0x5c: {  	[tilespmem:s9], [sflag:$0x1] =	stream.indirect_vreg.gather [hbm4b:s4+s2], $0x80, v4, vm0, $0xb8;
	[tilespmem:$0x18080] =	vst v63  }
0x5d: {  	s0 =	rddreg [dreg:$0x11]  }
0x5e: {  	[tilespmem:s0], [sflag:$0x1] =	stream.indirect_vreg.gather [hbm4b:s5+s2], $0x80, v4, vm0, $0xb8;
	[tilespmem:$0x18080] =	vst v63  }
0x5f: {  	s9 =	rddreg [dreg:$0x12]  }
0x60: {  	[tilespmem:s9], [sflag:$0x1] =	stream.indirect_vreg.gather [hbm4b:s3+s2], $0x80, v3, vm0, $0xb8;
	[tilespmem:$0x18080] =	vst v63  }
0x61: {  	s0 =	rddreg [dreg:$0x13]  }
0x62: {  	[tilespmem:s0], [sflag:$0x1] =	stream.indirect_vreg.gather [hbm4b:s4+s2], $0x80, v3, vm0, $0xb8;
	[tilespmem:$0x18080] =	vst v63  }
0x63: {  	s9 =	rddreg [dreg:$0x14]  }
0x64: {  	[tilespmem:s9], [sflag:$0x1] =	stream.indirect_vreg.gather [hbm4b:s5+s2], $0x80, v3, vm0, $0xb8;
	[tilespmem:$0x18080] =	vst v63  }
0x65: {  	v3 =	vld [tilespmem:$0x30];
	_ =	sdelay $0x4  }
0x66: {  	v59 =	vshrl.u32 v3, $0x3  }
0x67: {  	v4 =	vmul.u32 $0x30, v59  }
0x68: {  	v3 =	vand.u32 $0x7, v3  }
0x69: {  	v3 =	vor.u32 v3, v4  }
0x6a: {  	v4 =	vperm.xlane v3, v0;
	_ =	sdelay $0x1  }
0x6b: {  	v4 =	vadd.s32 v1, v4;
	_ =	sdelay $0x3  }
0x6c: {  	s0 =	rddreg [dreg:$0x15];
	v3 =	vperm.xlane v3, v2  }
0x6d: {  	[tilespmem:s0], [sflag:$0x1] =	stream.indirect_vreg.gather [hbm4b:s3+s2], $0x80, v4, vm0, $0xb8;
	[tilespmem:$0x18080] =	vst v63  }
0x6e: {  	s9 =	rddreg [dreg:$0x16];
	v3 =	vadd.s32 v1, v3  }
0x6f: {  	[tilespmem:s9], [sflag:$0x1] =	stream.indirect_vreg.gather [hbm4b:s4+s2], $0x80, v4, vm0, $0xb8;
	[tilespmem:$0x18080] =	vst v63  }
0x70: {  	s0 =	rddreg [dreg:$0x17]  }
0x71: {  	[tilespmem:s0], [sflag:$0x1] =	stream.indirect_vreg.gather [hbm4b:s5+s2], $0x80, v4, vm0, $0xb8;
	[tilespmem:$0x18080] =	vst v63  }
0x72: {  	s9 =	rddreg [dreg:$0x18]  }
0x73: {  	[tilespmem:s9], [sflag:$0x1] =	stream.indirect_vreg.gather [hbm4b:s3+s2], $0x80, v3, vm0, $0xb8;
	[tilespmem:$0x18080] =	vst v63  }
0x74: {  	s0 =	rddreg [dreg:$0x19]  }
0x75: {  	[tilespmem:s0], [sflag:$0x1] =	stream.indirect_vreg.gather [hbm4b:s4+s2], $0x80, v3, vm0, $0xb8;
	[tilespmem:$0x18080] =	vst v63  }
0x76: {  	s9 =	rddreg [dreg:$0x1a]  }
0x77: {  	[tilespmem:s9], [sflag:$0x1] =	stream.indirect_vreg.gather [hbm4b:s5+s2], $0x80, v3, vm0, $0xb8;
	[tilespmem:$0x18080] =	vst v63  }
0x78: {  	v3 =	vld [tilespmem:$0x40];
	_ =	sdelay $0x4  }
0x79: {  	v60 =	vshrl.u32 v3, $0x3  }
0x7a: {  	v4 =	vmul.u32 $0x30, v60  }
0x7b: {  	v3 =	vand.u32 $0x7, v3  }
0x7c: {  	v3 =	vor.u32 v3, v4  }
0x7d: {  	v4 =	vperm.xlane v3, v0;
	_ =	sdelay $0x1  }
0x7e: {  	v4 =	vadd.s32 v1, v4;
	_ =	sdelay $0x3  }
0x7f: {  	s0 =	rddreg [dreg:$0x1b];
	v3 =	vperm.xlane v3, v2  }
0x80: {  	[tilespmem:s0], [sflag:$0x1] =	stream.indirect_vreg.gather [hbm4b:s3+s2], $0x80, v4, vm0, $0xb8;
	[tilespmem:$0x18080] =	vst v63  }
0x81: {  	s9 =	rddreg [dreg:$0x1c];
	v3 =	vadd.s32 v1, v3  }
0x82: {  	[tilespmem:s9], [sflag:$0x1] =	stream.indirect_vreg.gather [hbm4b:s4+s2], $0x80, v4, vm0, $0xb8;
	[tilespmem:$0x18080] =	vst v63  }
0x83: {  	s9 =	simm.s32 $0xD080  }
0x84: {  	[tilespmem:s9], [sflag:$0x1] =	stream.indirect_vreg.gather [hbm4b:s5+s2], $0x80, v4, vm0, $0xb8;
	[tilespmem:$0x18080] =	vst v63  }
0x85: {  	_ = 	snop  }
0x86: {  	[tilespmem:s10], [sflag:$0x1] =	stream.indirect_vreg.gather [hbm4b:s3+s2], $0x80, v3, vm0, $0xb8;
	[tilespmem:$0x18080] =	vst v63  }
0x87: {  	_ = 	snop  }
0x88: {  	[tilespmem:s11], [sflag:$0x1] =	stream.indirect_vreg.gather [hbm4b:s4+s2], $0x80, v3, vm0, $0xb8;
	[tilespmem:$0x18080] =	vst v63  }
0x89: {  	_ = 	snop  }
0x8a: {  	[tilespmem:s12], [sflag:$0x1] =	stream.indirect_vreg.gather [hbm4b:s5+s2], $0x80, v3, vm0, $0xb8;
	[tilespmem:$0x18080] =	vst v63  }
0x8b: {  	v3 =	vld [tilespmem:$0x50];
	_ =	sdelay $0x4  }
0x8c: {  	v61 =	vshrl.u32 v3, $0x3  }
0x8d: {  	v4 =	vmul.u32 $0x30, v61  }
0x8e: {  	v3 =	vand.u32 $0x7, v3  }
0x8f: {  	v3 =	vor.u32 v3, v4  }
0x90: {  	v4 =	vperm.xlane v3, v0;
	_ =	sdelay $0x1  }
0x91: {  	v4 =	vadd.s32 v1, v4;
	_ =	sdelay $0x3  }
0x92: {  	v3 =	vperm.xlane v3, v2  }
0x93: {  	[tilespmem:s13], [sflag:$0x1] =	stream.indirect_vreg.gather [hbm4b:s3+s2], $0x80, v4, vm0, $0xb8;
	[tilespmem:$0x18080] =	vst v63  }
0x94: {  	v3 =	vadd.s32 v1, v3  }
0x95: {  	[tilespmem:s14], [sflag:$0x1] =	stream.indirect_vreg.gather [hbm4b:s4+s2], $0x80, v4, vm0, $0xb8;
	[tilespmem:$0x18080] =	vst v63  }
0x96: {  	_ = 	snop  }
0x97: {  	[tilespmem:s15], [sflag:$0x1] =	stream.indirect_vreg.gather [hbm4b:s5+s2], $0x80, v4, vm0, $0xb8;
	[tilespmem:$0x18080] =	vst v63  }
0x98: {  	_ = 	snop  }
0x99: {  	[tilespmem:s16], [sflag:$0x1] =	stream.indirect_vreg.gather [hbm4b:s3+s2], $0x80, v3, vm0, $0xb8;
	[tilespmem:$0x18080] =	vst v63  }
0x9a: {  	_ = 	snop  }
0x9b: {  	[tilespmem:s17], [sflag:$0x1] =	stream.indirect_vreg.gather [hbm4b:s4+s2], $0x80, v3, vm0, $0xb8;
	[tilespmem:$0x18080] =	vst v63  }
0x9c: {  	_ = 	snop  }
0x9d: {  	[tilespmem:s18], [sflag:$0x1] =	stream.indirect_vreg.gather [hbm4b:s5+s2], $0x80, v3, vm0, $0xb8;
	[tilespmem:$0x18080] =	vst v63  }
0x9e: {  	v3 =	vld [tilespmem:$0x60];
	_ =	sdelay $0x4  }
0x9f: {  	v62 =	vshrl.u32 v3, $0x3  }
0xa0: {  	v4 =	vmul.u32 $0x30, v62  }
0xa1: {  	v3 =	vand.u32 $0x7, v3  }
0xa2: {  	v3 =	vor.u32 v3, v4  }
0xa3: {  	v4 =	vperm.xlane v3, v0;
	_ =	sdelay $0x1  }
0xa4: {  	v4 =	vadd.s32 v1, v4;
	_ =	sdelay $0x3  }
0xa5: {  	v3 =	vperm.xlane v3, v2  }
0xa6: {  	[tilespmem:s19], [sflag:$0x1] =	stream.indirect_vreg.gather [hbm4b:s3+s2], $0x80, v4, vm0, $0xb8;
	[tilespmem:$0x18080] =	vst v63  }
0xa7: {  	v3 =	vadd.s32 v1, v3  }
0xa8: {  	[tilespmem:s20], [sflag:$0x1] =	stream.indirect_vreg.gather [hbm4b:s4+s2], $0x80, v4, vm0, $0xb8;
	[tilespmem:$0x18080] =	vst v63  }
0xa9: {  	_ = 	snop  }
0xaa: {  	[tilespmem:s21], [sflag:$0x1] =	stream.indirect_vreg.gather [hbm4b:s5+s2], $0x80, v4, vm0, $0xb8;
	[tilespmem:$0x18080] =	vst v63  }
0xab: {  	_ = 	snop  }
0xac: {  	[tilespmem:s22], [sflag:$0x1] =	stream.indirect_vreg.gather [hbm4b:s3+s2], $0x80, v3, vm0, $0xb8;
	[tilespmem:$0x18080] =	vst v63  }
0xad: {  	_ = 	snop  }
0xae: {  	[tilespmem:s23], [sflag:$0x1] =	stream.indirect_vreg.gather [hbm4b:s4+s2], $0x80, v3, vm0, $0xb8;
	[tilespmem:$0x18080] =	vst v63  }
0xaf: {  	_ = 	snop  }
0xb0: {  	[tilespmem:s24], [sflag:$0x1] =	stream.indirect_vreg.gather [hbm4b:s5+s2], $0x80, v3, vm0, $0xb8;
	[tilespmem:$0x18080] =	vst v63  }
0xb1: {  	v3 =	vld [tilespmem:$0x70];
	_ =	sdelay $0x4  }
0xb2: {  	v63 =	vshrl.u32 v3, $0x3  }
0xb3: {  	v4 =	vmul.u32 $0x30, v63  }
0xb4: {  	v3 =	vand.u32 $0x7, v3  }
0xb5: {  	v3 =	vor.u32 v3, v4  }
0xb6: {  	v4 =	vperm.xlane v3, v0;
	_ =	sdelay $0x1  }
0xb7: {  	v4 =	vadd.s32 v1, v4;
	_ =	sdelay $0x3  }
0xb8: {  	v3 =	vperm.xlane v3, v2  }
0xb9: {  	[tilespmem:s25], [sflag:$0x1] =	stream.indirect_vreg.gather [hbm4b:s3+s2], $0x80, v4, vm0, $0xb8;
	[tilespmem:$0x18080] =	vst v63  }
0xba: {  	v3 =	vadd.s32 v1, v3  }
0xbb: {  	[tilespmem:s26], [sflag:$0x1] =	stream.indirect_vreg.gather [hbm4b:s4+s2], $0x80, v4, vm0, $0xb8;
	[tilespmem:$0x18080] =	vst v63  }
0xbc: {  	_ = 	snop  }
0xbd: {  	[tilespmem:s28], [sflag:$0x1] =	stream.indirect_vreg.gather [hbm4b:s5+s2], $0x80, v4, vm0, $0xb8;
	[tilespmem:$0x18080] =	vst v63  }
0xbe: {  	_ = 	snop  }
0xbf: {  	[tilespmem:s29], [sflag:$0x1] =	stream.indirect_vreg.gather [hbm4b:s3+s2], $0x80, v3, vm0, $0xb8;
	[tilespmem:$0x18080] =	vst v63  }
0xc0: {  	_ = 	snop  }
0xc1: {  	[tilespmem:s30], [sflag:$0x1] =	stream.indirect_vreg.gather [hbm4b:s4+s2], $0x80, v3, vm0, $0xb8;
	[tilespmem:$0x18080] =	vst v63  }
0xc2: {  	_ = 	snop  }
0xc3: {  	[tilespmem:s31], [sflag:$0x1] =	stream.indirect_vreg.gather [hbm4b:s5+s2], $0x80, v3, vm0, $0xb8;
	[tilespmem:$0x18080] =	vst v63  }
0xc4: {  	_ =	swait.ge [sflag:s1], $0x18000  }
0xc5: {  	p0 =	sne.s32 s6, $0x1;
	[sflag:s1] =	ssyncset.done $0x0  }
.Ltmp0:
0xc6: {  	s9 =	rddreg [dreg:$0x3];
	[sflag:s1] =	ssyncadd.s32 $0xFFFE8000;
	(pc) =	sbr.rel @p0 .LBB2_1-.Ltmp0, $4  }
0xc7: {  	[hbm4b:s9+s2] =	stream.linear.scatter [tilespmem:s8], [sflag:$0x2], $0x18000, $0x38;
	[tilespmem:$0x18080] =	vst v63  }
0xc8: {  	_ =	swait.ge [sflag:s7], $0x18000  }
0xc9: {  	[sflag:s7] =	ssyncset.done $0x0  }
0xca: {  	s6 =	sadd.s32 $0xFFFFFFFF, s6;
	[sflag:s7] =	ssyncadd.s32 $0xFFFE8000  }
0xcb: {  	_ =	sfence.sel $0x180000  }
0xcc: {  	[bflag:$0x0] =	sbarrier.arrive $0xFFFF  }
0xcd: {  	_ =	strace $0x90000047  }
0xce: {  	s0 =	stileid.u32;
	[bflag:$0x2] =	sbarrier.arrive $0xFFFF  }
0xcf: {  	p0 =	sne.s32 s0, $0x0;
	s0 =	rddreg [dreg:$0x1]  }
0xd0: {  	s0 =	sadd.s32 @!p0 $0x100000, s0  }
0xd1: {  	[sflag:s0] =	ssyncadd.tile.s32 @!p0 $0x1;
	_ =	shalt  }
.Lfunc_end2:
_tile_overlayer_lowered:
.L_overlay_start_2:
0xd2: {  	(tag) =	ssettag $0x2  }
0xd3: {  	s0 =	rddreg [dreg:$0x0];
	s2 =	stileid.u32  }
0xd4: {  	s1 =	rddreg [dreg:$0x1];
	p0 =	sne.s32 s2, $0x0  }
0xd5: {  	s3 =	rddreg [dreg:$0x2];
	[bflag:$0x3] =	sbarrier.arrive $0xFFFF;
	s2 =	simm.s32 @!p0 $0x1C02  }
0xd6: {  	[timem:s3], [sflag:s2] =	dma.local @!p0 [hbm:s0], s1  }
0xd7: {  	s0 =	simm.s32 @!p0 $0x2  }
0xd8: {  	_ =	swait.ge @!p0 [sflag:s0], s1  }
0xd9: {  	s1 =	ssub.s32 @!p0 $0x0, s1;
	[sflag:s0] =	ssyncset.done @!p0 $0x0  }
0xda: {  	[sflag:s0] =	ssyncadd.s32 @!p0 s1  }
0xdb: {  	[bflag:$0x3] =	sbarrier.arrive $0xFFFF  }
0xdc: {  	_ =	shalt  }

</sc_bundles>
